<compile_context>
chip_gen: v7x
topology: tpu7x:2x2x1
jax: 0.10.2.dev20260603
libtpu: 0.0.44.dev20260713+nightly
codegen_flags: <defaults>
</compile_context>

<pallas_src>
import jax
import jax.numpy as jnp
from jax import lax
from jax.experimental import pallas as pl
from jax.experimental.pallas import tpu as pltpu
from jax.experimental.pallas import tpu_sc as plsc

N = 10000
E = 320000
D = 128
DH = D // 2

NC = 2
NS = 16
NW = NC * NS

CH = 128
NCH = 158
EPT = NCH * CH
PAD_E = NS * EPT

DUMMY_ROW = N
ACC_ROWS = 10008
ZROWS = 632

MBLK = 1000


def _sc_body(h_ref, src_ref, dst_ref, zero_ref, out_ref,
             src_v, dst_v, buf_a, buf_b, acc, sem_a, sem_b):
    c = lax.axis_index("c")
    s = lax.axis_index("s")

    pltpu.sync_copy(src_ref.at[s], src_v)
    pltpu.sync_copy(dst_ref.at[s], dst_v)

    @pl.when(s < NS - 1)
    def _():
        pltpu.sync_copy(zero_ref.at[pl.ds(0, ZROWS)],
                        acc.at[pl.ds(s * ZROWS, ZROWS)])

    @pl.when(s == NS - 1)
    def _():
        rem = ACC_ROWS - (NS - 1) * ZROWS
        pltpu.sync_copy(zero_ref.at[pl.ds(0, rem)],
                        acc.at[pl.ds((NS - 1) * ZROWS, rem)])

    plsc.subcore_barrier()

    h_c = h_ref.at[c]
    pltpu.async_copy(h_c.at[src_v.at[0]], buf_a, sem_a)

    def body(i, carry):
        j0 = 2 * i
        pltpu.async_copy(h_c.at[src_v.at[j0 + 1]], buf_b, sem_b)
        pltpu.make_async_copy(h_c.at[src_v.at[j0]], buf_a, sem_a).wait()
        pltpu.sync_copy(buf_a, acc.at[dst_v.at[j0]], add=True)

        @pl.when(i < NCH // 2 - 1)
        def _():
            pltpu.async_copy(h_c.at[src_v.at[j0 + 2]], buf_a, sem_a)

        pltpu.make_async_copy(h_c.at[src_v.at[j0 + 1]], buf_b, sem_b).wait()
        pltpu.sync_copy(buf_b, acc.at[dst_v.at[j0 + 1]], add=True)
        return carry

    lax.fori_loop(0, NCH // 2, body, 0)
    plsc.subcore_barrier()

    @pl.when(s < NS - 1)
    def _():
        pltpu.sync_copy(acc.at[pl.ds(s * ZROWS, ZROWS)],
                        out_ref.at[c, pl.ds(s * ZROWS, ZROWS)])

    @pl.when(s == NS - 1)
    def _():
        rem = N - (NS - 1) * ZROWS
        pltpu.sync_copy(acc.at[pl.ds((NS - 1) * ZROWS, rem)],
                        out_ref.at[c, pl.ds((NS - 1) * ZROWS, rem)])


_sc_scatter = pl.kernel(
    _sc_body,
    out_type=jax.ShapeDtypeStruct((NC, N, DH), jnp.float32),
    mesh=plsc.VectorSubcoreMesh(core_axis_name="c", subcore_axis_name="s",
                                num_cores=NC, num_subcores=NS),
    scratch_types=[
        pltpu.VMEM((NCH, CH), jnp.int32),
        pltpu.VMEM((NCH, CH), jnp.int32),
        pltpu.VMEM((CH, DH), jnp.float32),
        pltpu.VMEM((CH, DH), jnp.float32),
        pltpu.VMEM_SHARED((ACC_ROWS, DH), jnp.float32),
        pltpu.SemaphoreType.DMA,
        pltpu.SemaphoreType.DMA,
    ],
    compiler_params=pltpu.CompilerParams(use_tc_tiling_on_sc=False),
)


def _split_store(o_ref, r):
    o_ref[0] = r[:, :DH]
    o_ref[1] = r[:, DH:]


def _mm_body(x_ref, w_ref, o_ref):
    r = jnp.dot(x_ref[...], w_ref[...], preferred_element_type=jnp.float32)
    _split_store(o_ref, r)


def _act_mm_body(agg_ref, b_ref, w_ref, o_ref):
    a = jnp.concatenate([agg_ref[0], agg_ref[1]], axis=-1)
    h = jnp.maximum(a + b_ref[...], 0.0)
    r = jnp.dot(h, w_ref[...], preferred_element_type=jnp.float32)
    _split_store(o_ref, r)


def _sig_body(agg_ref, b_ref, o_ref):
    a = jnp.concatenate([agg_ref[0], agg_ref[1]], axis=-1)
    o_ref[...] = jax.nn.sigmoid(a + b_ref[...])


_mm = pl.pallas_call(
    _mm_body,
    grid=(N // MBLK,),
    in_specs=[
        pl.BlockSpec((MBLK, D), lambda i: (i, 0)),
        pl.BlockSpec((D, D), lambda i: (0, 0)),
    ],
    out_specs=pl.BlockSpec((NC, MBLK, DH), lambda i: (0, i, 0)),
    out_shape=jax.ShapeDtypeStruct((NC, N, DH), jnp.float32),
)

_act_mm = pl.pallas_call(
    _act_mm_body,
    grid=(N // MBLK,),
    in_specs=[
        pl.BlockSpec((NC, MBLK, DH), lambda i: (0, i, 0)),
        pl.BlockSpec((1, D), lambda i: (0, 0)),
        pl.BlockSpec((D, D), lambda i: (0, 0)),
    ],
    out_specs=pl.BlockSpec((NC, MBLK, DH), lambda i: (0, i, 0)),
    out_shape=jax.ShapeDtypeStruct((NC, N, DH), jnp.float32),
)

_sig = pl.pallas_call(
    _sig_body,
    grid=(N // MBLK,),
    in_specs=[
        pl.BlockSpec((NC, MBLK, DH), lambda i: (0, i, 0)),
        pl.BlockSpec((1, D), lambda i: (0, 0)),
    ],
    out_specs=pl.BlockSpec((MBLK, D), lambda i: (i, 0)),
    out_shape=jax.ShapeDtypeStruct((N, D), jnp.float32),
)


def kernel(x, edge_index, W1, b1, W2, b2, W3, b3):
    src = edge_index[0].astype(jnp.int32)
    dst = edge_index[1].astype(jnp.int32)
    src_p = jnp.concatenate(
        [src, jnp.zeros((PAD_E - E,), jnp.int32)]).reshape(NS, NCH, CH)
    dst_p = jnp.concatenate(
        [dst, jnp.full((PAD_E - E,), DUMMY_ROW, jnp.int32)]).reshape(NS, NCH, CH)
    zeros = jnp.zeros((ZROWS, DH), jnp.float32)

    b1r = b1.reshape(1, D)
    b2r = b2.reshape(1, D)
    b3r = b3.reshape(1, D)

    t = _mm(x, W1)
    agg = _sc_scatter(t, src_p, dst_p, zeros)
    t = _act_mm(agg, b1r, W2)
    agg = _sc_scatter(t, src_p, dst_p, zeros)
    t = _act_mm(agg, b2r, W3)
    agg = _sc_scatter(t, src_p, dst_p, zeros)
    return _sig(agg, b3r)

# --- scband reference (transcript-rebuilt; emitter-appended) ---
"""Pipeline reference for scband-gcn-23931557773763 (READ-ONLY COPY).

The authoritative reference and input builder live on the scoring server;
editing this copy changes nothing except your own understanding.
"""

import jax, jax.numpy as jnp
import numpy as np

N = 10000
E = 320000
D = 128

def setup_inputs(seed: int = 0) -> dict:
    key = jax.random.key(seed)
    ks = jax.random.split(key, 10)
    x = jax.random.normal(ks[0], (N, D), dtype=jnp.float32)
    edge_index = jax.random.randint(ks[1], (2, E), 0, N)
    s = 1.0 / np.sqrt(D)
    W1 = jax.random.normal(ks[2], (D, D), dtype=jnp.float32) * s
    b1 = jnp.zeros((D,), dtype=jnp.float32)
    W2 = jax.random.normal(ks[3], (D, D), dtype=jnp.float32) * s
    b2 = jnp.zeros((D,), dtype=jnp.float32)
    W3 = jax.random.normal(ks[4], (D, D), dtype=jnp.float32) * s
    b3 = jnp.zeros((D,), dtype=jnp.float32)
    return {"x": x, "edge_index": edge_index, "W1": W1, "b1": b1, "W2": W2, "b2": b2, "W3": W3, "b3": b3}

def _gcn_conv(h, edge_index, W, b):
    # GCNConv with normalize=False: linear transform, scatter-add src->dst, add bias
    h = h @ W
    src = edge_index[0]
    dst = edge_index[1]
    agg = jnp.zeros_like(h).at[dst].add(h[src])
    return agg + b

def reference(x, edge_index, W1, b1, W2, b2, W3, b3):
    # eval mode: dropout is identity
    h = jax.nn.relu(_gcn_conv(x, edge_index, W1, b1))
    h = jax.nn.relu(_gcn_conv(h, edge_index, W2, b2))
    h = _gcn_conv(h, edge_index, W3, b3)
    return jax.nn.sigmoid(h)

if __name__ == "__main__":
    import jax
    _d = setup_inputs()
    print(jax.jit(kernel)(*tuple(_d.values())))

</pallas_src>

<mosaic_0001>
#map = affine_map<(d0, d1) -> (0, 0, 0)>
#map1 = affine_map<(d0, d1) -> (0, 0)>
module attributes {stable_mosaic.version = 14 : i64} {
  func.func @_sc_body(%arg0: i32, %arg1: i32, %arg2: memref<2x10000x64xf32, #tpu.memory_space<hbm>>, %arg3: memref<16x158x128xi32, #tpu.memory_space<hbm>>, %arg4: memref<16x158x128xi32, #tpu.memory_space<hbm>>, %arg5: memref<632x64xf32, #tpu.memory_space<hbm>>, %arg6: memref<2x10000x64xf32, #tpu.memory_space<hbm>>, %arg7: memref<158x128xi32, #tpu.memory_space<vmem>>, %arg8: memref<158x128xi32, #tpu.memory_space<vmem>>, %arg9: memref<128x64xf32, #tpu.memory_space<vmem>>, %arg10: memref<128x64xf32, #tpu.memory_space<vmem>>, %arg11: memref<10008x64xf32, #tpu.memory_space<vmem_shared>>, %arg12: memref<!tpu.dma_semaphore, #tpu.memory_space<semaphore_mem>>, %arg13: memref<!tpu.dma_semaphore, #tpu.memory_space<semaphore_mem>>) attributes {dimension_semantics = [#tpu.dimension_semantics<core_parallel>, #tpu.dimension_semantics<subcore_parallel>], iteration_bounds = array<i64: 2, 16>, scalar_prefetch = 0 : i64, scratch_operands = 7 : i64, tpu.core_type = #tpu.core_type<sc_vector_subcore>, window_params = [{transform_indices = #map}, {transform_indices = #map}, {transform_indices = #map}, {transform_indices = #map1}, {transform_indices = #map}]} {
    "tpu.region"() ({
      %run_scoped3A = tpu.sem_alloc : memref<!tpu.dma_semaphore, #tpu.memory_space<semaphore_mem>>
      %dma_start3A_32 = arith.constant 0 : i32
      %dma_start3A_33 = arith.constant 0 : i32
      %dma_start3A_34 = tpu.memref_slice %arg3[%arg1, %dma_start3A_32, %dma_start3A_33] : memref<16x158x128xi32, #tpu.memory_space<hbm>> -> memref<1x158x128xi32, #tpu.memory_space<hbm>>
      %dma_start3A_35 = tpu.memref_squeeze %dma_start3A_34 : memref<1x158x128xi32, #tpu.memory_space<hbm>> -> memref<158x128xi32, #tpu.memory_space<hbm>>
      %dma_start3A_36 = arith.constant 0 : i32
      %dma_start3A_37 = arith.constant 0 : i32
      %dma_start3A_38 = tpu.memref_slice %arg3[%arg1, %dma_start3A_36, %dma_start3A_37] : memref<16x158x128xi32, #tpu.memory_space<hbm>> -> memref<1x158x128xi32, #tpu.memory_space<hbm>>
      %dma_start3A_39 = tpu.memref_squeeze %dma_start3A_38 : memref<1x158x128xi32, #tpu.memory_space<hbm>> -> memref<158x128xi32, #tpu.memory_space<hbm>>
      tpu.enqueue_dma source(%dma_start3A_39 : memref<158x128xi32, #tpu.memory_space<hbm>>) target(%arg7 : memref<158x128xi32, #tpu.memory_space<vmem>>) target_semaphore(%run_scoped3A : memref<!tpu.dma_semaphore, #tpu.memory_space<semaphore_mem>>)
      %dma_wait3A = arith.constant 0 : i32
      %dma_wait3A_40 = arith.constant 0 : i32
      %dma_wait3A_41 = tpu.memref_slice %arg3[%arg1, %dma_wait3A, %dma_wait3A_40] : memref<16x158x128xi32, #tpu.memory_space<hbm>> -> memref<1x158x128xi32, #tpu.memory_space<hbm>>
      %dma_wait3A_42 = tpu.memref_squeeze %dma_wait3A_41 : memref<1x158x128xi32, #tpu.memory_space<hbm>> -> memref<158x128xi32, #tpu.memory_space<hbm>>
      %dma_wait3A_43 = arith.constant 0 : i32
      %dma_wait3A_44 = arith.constant 0 : i32
      %dma_wait3A_45 = tpu.memref_slice %arg3[%arg1, %dma_wait3A_43, %dma_wait3A_44] : memref<16x158x128xi32, #tpu.memory_space<hbm>> -> memref<1x158x128xi32, #tpu.memory_space<hbm>>
      %dma_wait3A_46 = tpu.memref_squeeze %dma_wait3A_45 : memref<1x158x128xi32, #tpu.memory_space<hbm>> -> memref<158x128xi32, #tpu.memory_space<hbm>>
      tpu.wait_dma2 semaphore(%run_scoped3A : memref<!tpu.dma_semaphore, #tpu.memory_space<semaphore_mem>>) src(%dma_wait3A_46 : memref<158x128xi32, #tpu.memory_space<hbm>>) dst(%arg7 : memref<158x128xi32, #tpu.memory_space<vmem>>)
      tpu.yield
    }) : () -> ()
    "tpu.region"() ({
      %run_scoped3A = tpu.sem_alloc : memref<!tpu.dma_semaphore, #tpu.memory_space<semaphore_mem>>
      %dma_start3A_32 = arith.constant 0 : i32
      %dma_start3A_33 = arith.constant 0 : i32
      %dma_start3A_34 = tpu.memref_slice %arg4[%arg1, %dma_start3A_32, %dma_start3A_33] : memref<16x158x128xi32, #tpu.memory_space<hbm>> -> memref<1x158x128xi32, #tpu.memory_space<hbm>>
      %dma_start3A_35 = tpu.memref_squeeze %dma_start3A_34 : memref<1x158x128xi32, #tpu.memory_space<hbm>> -> memref<158x128xi32, #tpu.memory_space<hbm>>
      %dma_start3A_36 = arith.constant 0 : i32
      %dma_start3A_37 = arith.constant 0 : i32
      %dma_start3A_38 = tpu.memref_slice %arg4[%arg1, %dma_start3A_36, %dma_start3A_37] : memref<16x158x128xi32, #tpu.memory_space<hbm>> -> memref<1x158x128xi32, #tpu.memory_space<hbm>>
      %dma_start3A_39 = tpu.memref_squeeze %dma_start3A_38 : memref<1x158x128xi32, #tpu.memory_space<hbm>> -> memref<158x128xi32, #tpu.memory_space<hbm>>
      tpu.enqueue_dma source(%dma_start3A_39 : memref<158x128xi32, #tpu.memory_space<hbm>>) target(%arg8 : memref<158x128xi32, #tpu.memory_space<vmem>>) target_semaphore(%run_scoped3A : memref<!tpu.dma_semaphore, #tpu.memory_space<semaphore_mem>>)
      %dma_wait3A = arith.constant 0 : i32
      %dma_wait3A_40 = arith.constant 0 : i32
      %dma_wait3A_41 = tpu.memref_slice %arg4[%arg1, %dma_wait3A, %dma_wait3A_40] : memref<16x158x128xi32, #tpu.memory_space<hbm>> -> memref<1x158x128xi32, #tpu.memory_space<hbm>>
      %dma_wait3A_42 = tpu.memref_squeeze %dma_wait3A_41 : memref<1x158x128xi32, #tpu.memory_space<hbm>> -> memref<158x128xi32, #tpu.memory_space<hbm>>
      %dma_wait3A_43 = arith.constant 0 : i32
      %dma_wait3A_44 = arith.constant 0 : i32
      %dma_wait3A_45 = tpu.memref_slice %arg4[%arg1, %dma_wait3A_43, %dma_wait3A_44] : memref<16x158x128xi32, #tpu.memory_space<hbm>> -> memref<1x158x128xi32, #tpu.memory_space<hbm>>
      %dma_wait3A_46 = tpu.memref_squeeze %dma_wait3A_45 : memref<1x158x128xi32, #tpu.memory_space<hbm>> -> memref<158x128xi32, #tpu.memory_space<hbm>>
      tpu.wait_dma2 semaphore(%run_scoped3A : memref<!tpu.dma_semaphore, #tpu.memory_space<semaphore_mem>>) src(%dma_wait3A_46 : memref<158x128xi32, #tpu.memory_space<hbm>>) dst(%arg8 : memref<158x128xi32, #tpu.memory_space<vmem>>)
      tpu.yield
    }) : () -> ()
    %lt3A = arith.constant 15 : i32
    %lt3A_0 = arith.cmpi slt, %arg1, %lt3A : i32
    %convert_element_type3A = arith.extui %lt3A_0 : i1 to i32
    %cond3A = arith.constant 0 : i32
    %cond3A_1 = arith.cmpi ne, %convert_element_type3A, %cond3A : i32
    scf.if %cond3A_1 {
      %mul3A = arith.constant 632 : i32
      %mul3A_32 = arith.muli %arg1, %mul3A : i32
      "tpu.region"() ({
        %run_scoped3A = tpu.sem_alloc : memref<!tpu.dma_semaphore, #tpu.memory_space<semaphore_mem>>
        %dma_start3A_33 = arith.constant 0 : i32
        %dma_start3A_34 = tpu.memref_slice %arg11[%mul3A_32, %dma_start3A_33] : memref<10008x64xf32, #tpu.memory_space<vmem_shared>> -> memref<632x64xf32, #tpu.memory_space<vmem_shared>>
        %dma_start3A_35 = arith.constant 0 : i32
        %dma_start3A_36 = arith.constant 0 : i32
        %dma_start3A_37 = tpu.memref_slice %arg5[%dma_start3A_35, %dma_start3A_36] : memref<632x64xf32, #tpu.memory_space<hbm>> -> memref<632x64xf32, #tpu.memory_space<hbm>>
        tpu.enqueue_dma source(%dma_start3A_37 : memref<632x64xf32, #tpu.memory_space<hbm>>) target(%dma_start3A_34 : memref<632x64xf32, #tpu.memory_space<vmem_shared>>) target_semaphore(%run_scoped3A : memref<!tpu.dma_semaphore, #tpu.memory_space<semaphore_mem>>)
        %dma_wait3A = arith.constant 0 : i32
        %dma_wait3A_38 = tpu.memref_slice %arg11[%mul3A_32, %dma_wait3A] : memref<10008x64xf32, #tpu.memory_space<vmem_shared>> -> memref<632x64xf32, #tpu.memory_space<vmem_shared>>
        %dma_wait3A_39 = arith.constant 0 : i32
        %dma_wait3A_40 = arith.constant 0 : i32
        %dma_wait3A_41 = tpu.memref_slice %arg5[%dma_wait3A_39, %dma_wait3A_40] : memref<632x64xf32, #tpu.memory_space<hbm>> -> memref<632x64xf32, #tpu.memory_space<hbm>>
        tpu.wait_dma2 semaphore(%run_scoped3A : memref<!tpu.dma_semaphore, #tpu.memory_space<semaphore_mem>>) src(%dma_wait3A_41 : memref<632x64xf32, #tpu.memory_space<hbm>>) dst(%dma_wait3A_38 : memref<632x64xf32, #tpu.memory_space<vmem_shared>>)
        tpu.yield
      }) : () -> ()
    } else {
    }
    %eq3A = arith.constant 15 : i32
    %eq3A_2 = arith.cmpi eq, %arg1, %eq3A : i32
    %convert_element_type3A_3 = arith.extui %eq3A_2 : i1 to i32
    %cond3A_4 = arith.constant 0 : i32
    %cond3A_5 = arith.cmpi ne, %convert_element_type3A_3, %cond3A_4 : i32
    scf.if %cond3A_5 {
      "tpu.region"() ({
        %run_scoped3A = tpu.sem_alloc : memref<!tpu.dma_semaphore, #tpu.memory_space<semaphore_mem>>
        %dma_start3A_32 = arith.constant 9480 : i32
        %dma_start3A_33 = arith.constant 0 : i32
        %dma_start3A_34 = tpu.memref_slice %arg11[%dma_start3A_32, %dma_start3A_33] : memref<10008x64xf32, #tpu.memory_space<vmem_shared>> -> memref<528x64xf32, #tpu.memory_space<vmem_shared>>
        %dma_start3A_35 = arith.constant 0 : i32
        %dma_start3A_36 = arith.constant 0 : i32
        %dma_start3A_37 = tpu.memref_slice %arg5[%dma_start3A_35, %dma_start3A_36] : memref<632x64xf32, #tpu.memory_space<hbm>> -> memref<528x64xf32, #tpu.memory_space<hbm>>
        tpu.enqueue_dma source(%dma_start3A_37 : memref<528x64xf32, #tpu.memory_space<hbm>>) target(%dma_start3A_34 : memref<528x64xf32, #tpu.memory_space<vmem_shared>>) target_semaphore(%run_scoped3A : memref<!tpu.dma_semaphore, #tpu.memory_space<semaphore_mem>>)
        %dma_wait3A = arith.constant 9480 : i32
        %dma_wait3A_38 = arith.constant 0 : i32
        %dma_wait3A_39 = tpu.memref_slice %arg11[%dma_wait3A, %dma_wait3A_38] : memref<10008x64xf32, #tpu.memory_space<vmem_shared>> -> memref<528x64xf32, #tpu.memory_space<vmem_shared>>
        %dma_wait3A_40 = arith.constant 0 : i32
        %dma_wait3A_41 = arith.constant 0 : i32
        %dma_wait3A_42 = tpu.memref_slice %arg5[%dma_wait3A_40, %dma_wait3A_41] : memref<632x64xf32, #tpu.memory_space<hbm>> -> memref<528x64xf32, #tpu.memory_space<hbm>>
        tpu.wait_dma2 semaphore(%run_scoped3A : memref<!tpu.dma_semaphore, #tpu.memory_space<semaphore_mem>>) src(%dma_wait3A_42 : memref<528x64xf32, #tpu.memory_space<hbm>>) dst(%dma_wait3A_39 : memref<528x64xf32, #tpu.memory_space<vmem_shared>>)
        tpu.yield
      }) : () -> ()
    } else {
    }
    %barrier3A = arith.constant 0 : index
    tpu.barrier barrier_id(%barrier3A)
    %dma_start3A = arith.constant 0 : i32
    %dma_start3A_6 = arith.constant 0 : i32
    %dma_start3A_7 = tpu.memref_slice %arg7[%dma_start3A, %dma_start3A_6] : memref<158x128xi32, #tpu.memory_space<vmem>> -> memref<1x128xi32, #tpu.memory_space<vmem>>
    %dma_start3A_8 = tpu.memref_squeeze %dma_start3A_7 : memref<1x128xi32, #tpu.memory_space<vmem>> -> memref<128xi32, #tpu.memory_space<vmem>>
    %dma_start3A_9 = arith.constant 0 : i32
    %dma_start3A_10 = arith.constant 0 : i32
    %dma_start3A_11 = tpu.memref_slice %arg2[%arg0, %dma_start3A_9, %dma_start3A_10] : memref<2x10000x64xf32, #tpu.memory_space<hbm>> -> memref<1x10000x64xf32, #tpu.memory_space<hbm>>
    %dma_start3A_12 = tpu.memref_squeeze %dma_start3A_11 : memref<1x10000x64xf32, #tpu.memory_space<hbm>> -> memref<10000x64xf32, #tpu.memory_space<hbm>>
    %dma_start3A_13 = arith.constant 0 : i32
    %dma_start3A_14 = arith.constant 0 : i32
    %dma_start3A_15 = tpu.memref_slice %dma_start3A_12[%dma_start3A_13, %dma_start3A_14] : memref<10000x64xf32, #tpu.memory_space<hbm>> -> memref<10000x64xf32, #tpu.memory_space<hbm>>
    tpu.enqueue_indirect_dma source(%dma_start3A_15 : memref<10000x64xf32, #tpu.memory_space<hbm>>) target(%arg9 : memref<128x64xf32, #tpu.memory_space<vmem>>) offsets(%dma_start3A_8 : memref<128xi32, #tpu.memory_space<vmem>>) semaphore(%arg12 : memref<!tpu.dma_semaphore, #tpu.memory_space<semaphore_mem>>)
    %scan3A = arith.constant 0 : i32
    %scan3A_16 = arith.constant 0 : i32
    %scan3A_17 = arith.constant 79 : i32
    %scan3A_18 = arith.addi %scan3A_16, %scan3A_17 : i32
    %scan3A_19 = arith.constant 1 : i32
    scf.for %scan3A_32 = %scan3A_16 to %scan3A_18 step %scan3A_19  : i32 {
      %mul3A = arith.constant 2 : i32
      %mul3A_33 = arith.muli %mul3A, %scan3A_32 : i32
      %add3A = arith.constant 1 : i32
      %add3A_34 = arith.addi %mul3A_33, %add3A : i32
      %dma_start3A_35 = arith.constant 0 : i32
      %dma_start3A_36 = tpu.memref_slice %arg7[%add3A_34, %dma_start3A_35] : memref<158x128xi32, #tpu.memory_space<vmem>> -> memref<1x128xi32, #tpu.memory_space<vmem>>
      %dma_start3A_37 = tpu.memref_squeeze %dma_start3A_36 : memref<1x128xi32, #tpu.memory_space<vmem>> -> memref<128xi32, #tpu.memory_space<vmem>>
      %dma_start3A_38 = arith.constant 0 : i32
      %dma_start3A_39 = arith.constant 0 : i32
      %dma_start3A_40 = tpu.memref_slice %arg2[%arg0, %dma_start3A_38, %dma_start3A_39] : memref<2x10000x64xf32, #tpu.memory_space<hbm>> -> memref<1x10000x64xf32, #tpu.memory_space<hbm>>
      %dma_start3A_41 = tpu.memref_squeeze %dma_start3A_40 : memref<1x10000x64xf32, #tpu.memory_space<hbm>> -> memref<10000x64xf32, #tpu.memory_space<hbm>>
      %dma_start3A_42 = arith.constant 0 : i32
      %dma_start3A_43 = arith.constant 0 : i32
      %dma_start3A_44 = tpu.memref_slice %dma_start3A_41[%dma_start3A_42, %dma_start3A_43] : memref<10000x64xf32, #tpu.memory_space<hbm>> -> memref<10000x64xf32, #tpu.memory_space<hbm>>
      tpu.enqueue_indirect_dma source(%dma_start3A_44 : memref<10000x64xf32, #tpu.memory_space<hbm>>) target(%arg10 : memref<128x64xf32, #tpu.memory_space<vmem>>) offsets(%dma_start3A_37 : memref<128xi32, #tpu.memory_space<vmem>>) semaphore(%arg13 : memref<!tpu.dma_semaphore, #tpu.memory_space<semaphore_mem>>)
      %dma_wait3A = arith.constant 0 : i32
      %dma_wait3A_45 = tpu.memref_slice %arg7[%mul3A_33, %dma_wait3A] : memref<158x128xi32, #tpu.memory_space<vmem>> -> memref<1x128xi32, #tpu.memory_space<vmem>>
      %dma_wait3A_46 = tpu.memref_squeeze %dma_wait3A_45 : memref<1x128xi32, #tpu.memory_space<vmem>> -> memref<128xi32, #tpu.memory_space<vmem>>
      %dma_wait3A_47 = arith.constant 0 : i32
      %dma_wait3A_48 = arith.constant 0 : i32
      %dma_wait3A_49 = tpu.memref_slice %arg2[%arg0, %dma_wait3A_47, %dma_wait3A_48] : memref<2x10000x64xf32, #tpu.memory_space<hbm>> -> memref<1x10000x64xf32, #tpu.memory_space<hbm>>
      %dma_wait3A_50 = tpu.memref_squeeze %dma_wait3A_49 : memref<1x10000x64xf32, #tpu.memory_space<hbm>> -> memref<10000x64xf32, #tpu.memory_space<hbm>>
      %dma_wait3A_51 = arith.constant 0 : i32
      %dma_wait3A_52 = arith.constant 0 : i32
      %dma_wait3A_53 = tpu.memref_slice %dma_wait3A_50[%dma_wait3A_51, %dma_wait3A_52] : memref<10000x64xf32, #tpu.memory_space<hbm>> -> memref<10000x64xf32, #tpu.memory_space<hbm>>
      tpu.wait_indirect_dma semaphore(%arg12 : memref<!tpu.dma_semaphore, #tpu.memory_space<semaphore_mem>>) src(%dma_wait3A_53 : memref<10000x64xf32, #tpu.memory_space<hbm>>) dst(%arg9 : memref<128x64xf32, #tpu.memory_space<vmem>>)
      "tpu.region"() ({
        %run_scoped3A = tpu.sem_alloc : memref<!tpu.dma_semaphore, #tpu.memory_space<semaphore_mem>>
        %dma_start3A_73 = arith.constant 0 : i32
        %dma_start3A_74 = tpu.memref_slice %arg8[%mul3A_33, %dma_start3A_73] : memref<158x128xi32, #tpu.memory_space<vmem>> -> memref<1x128xi32, #tpu.memory_space<vmem>>
        %dma_start3A_75 = tpu.memref_squeeze %dma_start3A_74 : memref<1x128xi32, #tpu.memory_space<vmem>> -> memref<128xi32, #tpu.memory_space<vmem>>
        %dma_start3A_76 = arith.constant 0 : i32
        %dma_start3A_77 = arith.constant 0 : i32
        %dma_start3A_78 = tpu.memref_slice %arg11[%dma_start3A_76, %dma_start3A_77] : memref<10008x64xf32, #tpu.memory_space<vmem_shared>> -> memref<10008x64xf32, #tpu.memory_space<vmem_shared>>
        tpu.enqueue_indirect_dma source(%arg9 : memref<128x64xf32, #tpu.memory_space<vmem>>) target(%dma_start3A_78 : memref<10008x64xf32, #tpu.memory_space<vmem_shared>>) offsets(%dma_start3A_75 : memref<128xi32, #tpu.memory_space<vmem>>) semaphore(%run_scoped3A : memref<!tpu.dma_semaphore, #tpu.memory_space<semaphore_mem>>) {add = true}
        %dma_wait3A_79 = arith.constant 0 : i32
        %dma_wait3A_80 = tpu.memref_slice %arg8[%mul3A_33, %dma_wait3A_79] : memref<158x128xi32, #tpu.memory_space<vmem>> -> memref<1x128xi32, #tpu.memory_space<vmem>>
        %dma_wait3A_81 = tpu.memref_squeeze %dma_wait3A_80 : memref<1x128xi32, #tpu.memory_space<vmem>> -> memref<128xi32, #tpu.memory_space<vmem>>
        %dma_wait3A_82 = arith.constant 0 : i32
        %dma_wait3A_83 = arith.constant 0 : i32
        %dma_wait3A_84 = tpu.memref_slice %arg11[%dma_wait3A_82, %dma_wait3A_83] : memref<10008x64xf32, #tpu.memory_space<vmem_shared>> -> memref<10008x64xf32, #tpu.memory_space<vmem_shared>>
        tpu.wait_indirect_dma semaphore(%run_scoped3A : memref<!tpu.dma_semaphore, #tpu.memory_space<semaphore_mem>>) src(%arg9 : memref<128x64xf32, #tpu.memory_space<vmem>>) dst(%dma_wait3A_84 : memref<10008x64xf32, #tpu.memory_space<vmem_shared>>)
        tpu.yield
      }) : () -> ()
      %lt3A_54 = arith.constant 78 : i32
      %lt3A_55 = arith.cmpi slt, %scan3A_32, %lt3A_54 : i32
      %convert_element_type3A_56 = arith.extui %lt3A_55 : i1 to i32
      %cond3A_57 = arith.constant 0 : i32
      %cond3A_58 = arith.cmpi ne, %convert_element_type3A_56, %cond3A_57 : i32
      scf.if %cond3A_58 {
        %add3A_73 = arith.constant 2 : i32
        %add3A_74 = arith.addi %mul3A_33, %add3A_73 : i32
        %dma_start3A_75 = arith.constant 0 : i32
        %dma_start3A_76 = tpu.memref_slice %arg7[%add3A_74, %dma_start3A_75] : memref<158x128xi32, #tpu.memory_space<vmem>> -> memref<1x128xi32, #tpu.memory_space<vmem>>
        %dma_start3A_77 = tpu.memref_squeeze %dma_start3A_76 : memref<1x128xi32, #tpu.memory_space<vmem>> -> memref<128xi32, #tpu.memory_space<vmem>>
        %dma_start3A_78 = arith.constant 0 : i32
        %dma_start3A_79 = arith.constant 0 : i32
        %dma_start3A_80 = tpu.memref_slice %arg2[%arg0, %dma_start3A_78, %dma_start3A_79] : memref<2x10000x64xf32, #tpu.memory_space<hbm>> -> memref<1x10000x64xf32, #tpu.memory_space<hbm>>
        %dma_start3A_81 = tpu.memref_squeeze %dma_start3A_80 : memref<1x10000x64xf32, #tpu.memory_space<hbm>> -> memref<10000x64xf32, #tpu.memory_space<hbm>>
        %dma_start3A_82 = arith.constant 0 : i32
        %dma_start3A_83 = arith.constant 0 : i32
        %dma_start3A_84 = tpu.memref_slice %dma_start3A_81[%dma_start3A_82, %dma_start3A_83] : memref<10000x64xf32, #tpu.memory_space<hbm>> -> memref<10000x64xf32, #tpu.memory_space<hbm>>
        tpu.enqueue_indirect_dma source(%dma_start3A_84 : memref<10000x64xf32, #tpu.memory_space<hbm>>) target(%arg9 : memref<128x64xf32, #tpu.memory_space<vmem>>) offsets(%dma_start3A_77 : memref<128xi32, #tpu.memory_space<vmem>>) semaphore(%arg12 : memref<!tpu.dma_semaphore, #tpu.memory_space<semaphore_mem>>)
      } else {
      }
      %add3A_59 = arith.constant 1 : i32
      %add3A_60 = arith.addi %mul3A_33, %add3A_59 : i32
      %dma_wait3A_61 = arith.constant 0 : i32
      %dma_wait3A_62 = tpu.memref_slice %arg7[%add3A_60, %dma_wait3A_61] : memref<158x128xi32, #tpu.memory_space<vmem>> -> memref<1x128xi32, #tpu.memory_space<vmem>>
      %dma_wait3A_63 = tpu.memref_squeeze %dma_wait3A_62 : memref<1x128xi32, #tpu.memory_space<vmem>> -> memref<128xi32, #tpu.memory_space<vmem>>
      %dma_wait3A_64 = arith.constant 0 : i32
      %dma_wait3A_65 = arith.constant 0 : i32
      %dma_wait3A_66 = tpu.memref_slice %arg2[%arg0, %dma_wait3A_64, %dma_wait3A_65] : memref<2x10000x64xf32, #tpu.memory_space<hbm>> -> memref<1x10000x64xf32, #tpu.memory_space<hbm>>
      %dma_wait3A_67 = tpu.memref_squeeze %dma_wait3A_66 : memref<1x10000x64xf32, #tpu.memory_space<hbm>> -> memref<10000x64xf32, #tpu.memory_space<hbm>>
      %dma_wait3A_68 = arith.constant 0 : i32
      %dma_wait3A_69 = arith.constant 0 : i32
      %dma_wait3A_70 = tpu.memref_slice %dma_wait3A_67[%dma_wait3A_68, %dma_wait3A_69] : memref<10000x64xf32, #tpu.memory_space<hbm>> -> memref<10000x64xf32, #tpu.memory_space<hbm>>
      tpu.wait_indirect_dma semaphore(%arg13 : memref<!tpu.dma_semaphore, #tpu.memory_space<semaphore_mem>>) src(%dma_wait3A_70 : memref<10000x64xf32, #tpu.memory_space<hbm>>) dst(%arg10 : memref<128x64xf32, #tpu.memory_space<vmem>>)
      %add3A_71 = arith.constant 1 : i32
      %add3A_72 = arith.addi %mul3A_33, %add3A_71 : i32
      "tpu.region"() ({
        %run_scoped3A = tpu.sem_alloc : memref<!tpu.dma_semaphore, #tpu.memory_space<semaphore_mem>>
        %dma_start3A_73 = arith.constant 0 : i32
        %dma_start3A_74 = tpu.memref_slice %arg8[%add3A_72, %dma_start3A_73] : memref<158x128xi32, #tpu.memory_space<vmem>> -> memref<1x128xi32, #tpu.memory_space<vmem>>
        %dma_start3A_75 = tpu.memref_squeeze %dma_start3A_74 : memref<1x128xi32, #tpu.memory_space<vmem>> -> memref<128xi32, #tpu.memory_space<vmem>>
        %dma_start3A_76 = arith.constant 0 : i32
        %dma_start3A_77 = arith.constant 0 : i32
        %dma_start3A_78 = tpu.memref_slice %arg11[%dma_start3A_76, %dma_start3A_77] : memref<10008x64xf32, #tpu.memory_space<vmem_shared>> -> memref<10008x64xf32, #tpu.memory_space<vmem_shared>>
        tpu.enqueue_indirect_dma source(%arg10 : memref<128x64xf32, #tpu.memory_space<vmem>>) target(%dma_start3A_78 : memref<10008x64xf32, #tpu.memory_space<vmem_shared>>) offsets(%dma_start3A_75 : memref<128xi32, #tpu.memory_space<vmem>>) semaphore(%run_scoped3A : memref<!tpu.dma_semaphore, #tpu.memory_space<semaphore_mem>>) {add = true}
        %dma_wait3A_79 = arith.constant 0 : i32
        %dma_wait3A_80 = tpu.memref_slice %arg8[%add3A_72, %dma_wait3A_79] : memref<158x128xi32, #tpu.memory_space<vmem>> -> memref<1x128xi32, #tpu.memory_space<vmem>>
        %dma_wait3A_81 = tpu.memref_squeeze %dma_wait3A_80 : memref<1x128xi32, #tpu.memory_space<vmem>> -> memref<128xi32, #tpu.memory_space<vmem>>
        %dma_wait3A_82 = arith.constant 0 : i32
        %dma_wait3A_83 = arith.constant 0 : i32
        %dma_wait3A_84 = tpu.memref_slice %arg11[%dma_wait3A_82, %dma_wait3A_83] : memref<10008x64xf32, #tpu.memory_space<vmem_shared>> -> memref<10008x64xf32, #tpu.memory_space<vmem_shared>>
        tpu.wait_indirect_dma semaphore(%run_scoped3A : memref<!tpu.dma_semaphore, #tpu.memory_space<semaphore_mem>>) src(%arg10 : memref<128x64xf32, #tpu.memory_space<vmem>>) dst(%dma_wait3A_84 : memref<10008x64xf32, #tpu.memory_space<vmem_shared>>)
        tpu.yield
      }) : () -> ()
    }
    %scan3A_20 = arith.constant 79 : i32
    %barrier3A_21 = arith.constant 0 : index
    tpu.barrier barrier_id(%barrier3A_21)
    %lt3A_22 = arith.constant 15 : i32
    %lt3A_23 = arith.cmpi slt, %arg1, %lt3A_22 : i32
    %convert_element_type3A_24 = arith.extui %lt3A_23 : i1 to i32
    %cond3A_25 = arith.constant 0 : i32
    %cond3A_26 = arith.cmpi ne, %convert_element_type3A_24, %cond3A_25 : i32
    scf.if %cond3A_26 {
      %mul3A = arith.constant 632 : i32
      %mul3A_32 = arith.muli %arg1, %mul3A : i32
      %mul3A_33 = arith.constant 632 : i32
      %mul3A_34 = arith.muli %arg1, %mul3A_33 : i32
      "tpu.region"() ({
        %run_scoped3A = tpu.sem_alloc : memref<!tpu.dma_semaphore, #tpu.memory_space<semaphore_mem>>
        %dma_start3A_35 = arith.constant 0 : i32
        %dma_start3A_36 = tpu.memref_slice %arg6[%arg0, %mul3A_34, %dma_start3A_35] : memref<2x10000x64xf32, #tpu.memory_space<hbm>> -> memref<1x632x64xf32, #tpu.memory_space<hbm>>
        %dma_start3A_37 = tpu.memref_squeeze %dma_start3A_36 : memref<1x632x64xf32, #tpu.memory_space<hbm>> -> memref<632x64xf32, #tpu.memory_space<hbm>>
        %dma_start3A_38 = arith.constant 0 : i32
        %dma_start3A_39 = tpu.memref_slice %arg11[%mul3A_32, %dma_start3A_38] : memref<10008x64xf32, #tpu.memory_space<vmem_shared>> -> memref<632x64xf32, #tpu.memory_space<vmem_shared>>
        tpu.enqueue_dma source(%dma_start3A_39 : memref<632x64xf32, #tpu.memory_space<vmem_shared>>) target(%dma_start3A_37 : memref<632x64xf32, #tpu.memory_space<hbm>>) target_semaphore(%run_scoped3A : memref<!tpu.dma_semaphore, #tpu.memory_space<semaphore_mem>>)
        %dma_wait3A = arith.constant 0 : i32
        %dma_wait3A_40 = tpu.memref_slice %arg6[%arg0, %mul3A_34, %dma_wait3A] : memref<2x10000x64xf32, #tpu.memory_space<hbm>> -> memref<1x632x64xf32, #tpu.memory_space<hbm>>
        %dma_wait3A_41 = tpu.memref_squeeze %dma_wait3A_40 : memref<1x632x64xf32, #tpu.memory_space<hbm>> -> memref<632x64xf32, #tpu.memory_space<hbm>>
        %dma_wait3A_42 = arith.constant 0 : i32
        %dma_wait3A_43 = tpu.memref_slice %arg11[%mul3A_32, %dma_wait3A_42] : memref<10008x64xf32, #tpu.memory_space<vmem_shared>> -> memref<632x64xf32, #tpu.memory_space<vmem_shared>>
        tpu.wait_dma2 semaphore(%run_scoped3A : memref<!tpu.dma_semaphore, #tpu.memory_space<semaphore_mem>>) src(%dma_wait3A_43 : memref<632x64xf32, #tpu.memory_space<vmem_shared>>) dst(%dma_wait3A_41 : memref<632x64xf32, #tpu.memory_space<hbm>>)
        tpu.yield
      }) : () -> ()
    } else {
    }
    %eq3A_27 = arith.constant 15 : i32
    %eq3A_28 = arith.cmpi eq, %arg1, %eq3A_27 : i32
    %convert_element_type3A_29 = arith.extui %eq3A_28 : i1 to i32
    %cond3A_30 = arith.constant 0 : i32
    %cond3A_31 = arith.cmpi ne, %convert_element_type3A_29, %cond3A_30 : i32
    scf.if %cond3A_31 {
      "tpu.region"() ({
        %run_scoped3A = tpu.sem_alloc : memref<!tpu.dma_semaphore, #tpu.memory_space<semaphore_mem>>
        %dma_start3A_32 = arith.constant 9480 : i32
        %dma_start3A_33 = arith.constant 0 : i32
        %dma_start3A_34 = tpu.memref_slice %arg6[%arg0, %dma_start3A_32, %dma_start3A_33] : memref<2x10000x64xf32, #tpu.memory_space<hbm>> -> memref<1x520x64xf32, #tpu.memory_space<hbm>>
        %dma_start3A_35 = tpu.memref_squeeze %dma_start3A_34 : memref<1x520x64xf32, #tpu.memory_space<hbm>> -> memref<520x64xf32, #tpu.memory_space<hbm>>
        %dma_start3A_36 = arith.constant 9480 : i32
        %dma_start3A_37 = arith.constant 0 : i32
        %dma_start3A_38 = tpu.memref_slice %arg11[%dma_start3A_36, %dma_start3A_37] : memref<10008x64xf32, #tpu.memory_space<vmem_shared>> -> memref<520x64xf32, #tpu.memory_space<vmem_shared>>
        tpu.enqueue_dma source(%dma_start3A_38 : memref<520x64xf32, #tpu.memory_space<vmem_shared>>) target(%dma_start3A_35 : memref<520x64xf32, #tpu.memory_space<hbm>>) target_semaphore(%run_scoped3A : memref<!tpu.dma_semaphore, #tpu.memory_space<semaphore_mem>>)
        %dma_wait3A = arith.constant 9480 : i32
        %dma_wait3A_39 = arith.constant 0 : i32
        %dma_wait3A_40 = tpu.memref_slice %arg6[%arg0, %dma_wait3A, %dma_wait3A_39] : memref<2x10000x64xf32, #tpu.memory_space<hbm>> -> memref<1x520x64xf32, #tpu.memory_space<hbm>>
        %dma_wait3A_41 = tpu.memref_squeeze %dma_wait3A_40 : memref<1x520x64xf32, #tpu.memory_space<hbm>> -> memref<520x64xf32, #tpu.memory_space<hbm>>
        %dma_wait3A_42 = arith.constant 9480 : i32
        %dma_wait3A_43 = arith.constant 0 : i32
        %dma_wait3A_44 = tpu.memref_slice %arg11[%dma_wait3A_42, %dma_wait3A_43] : memref<10008x64xf32, #tpu.memory_space<vmem_shared>> -> memref<520x64xf32, #tpu.memory_space<vmem_shared>>
        tpu.wait_dma2 semaphore(%run_scoped3A : memref<!tpu.dma_semaphore, #tpu.memory_space<semaphore_mem>>) src(%dma_wait3A_44 : memref<520x64xf32, #tpu.memory_space<vmem_shared>>) dst(%dma_wait3A_41 : memref<520x64xf32, #tpu.memory_space<hbm>>)
        tpu.yield
      }) : () -> ()
    } else {
    }
    return
  }
}

#map = affine_map<(d0, d1) -> (0, 0, 0)>
#map1 = affine_map<(d0, d1) -> (0, 0)>
module attributes {stable_mosaic.version = 14 : i64} {
  func.func @_sc_body(%arg0: i32, %arg1: i32, %arg2: memref<2x10000x64xf32, #tpu.memory_space<hbm>>, %arg3: memref<16x158x128xi32, #tpu.memory_space<hbm>>, %arg4: memref<16x158x128xi32, #tpu.memory_space<hbm>>, %arg5: memref<632x64xf32, #tpu.memory_space<hbm>>, %arg6: memref<2x10000x64xf32, #tpu.memory_space<hbm>>, %arg7: memref<158x128xi32, #tpu.memory_space<vmem>>, %arg8: memref<158x128xi32, #tpu.memory_space<vmem>>, %arg9: memref<128x64xf32, #tpu.memory_space<vmem>>, %arg10: memref<128x64xf32, #tpu.memory_space<vmem>>, %arg11: memref<10008x64xf32, #tpu.memory_space<vmem_shared>>, %arg12: memref<!tpu.dma_semaphore, #tpu.memory_space<semaphore_mem>>, %arg13: memref<!tpu.dma_semaphore, #tpu.memory_space<semaphore_mem>>) attributes {dimension_semantics = [#tpu.dimension_semantics<core_parallel>, #tpu.dimension_semantics<subcore_parallel>], iteration_bounds = array<i64: 2, 16>, scalar_prefetch = 0 : i64, scratch_operands = 7 : i64, tpu.core_type = #tpu.core_type<sc_vector_subcore>, window_params = [{transform_indices = #map}, {transform_indices = #map}, {transform_indices = #map}, {transform_indices = #map1}, {transform_indices = #map}]} {
    "tpu.region"() ({
      %run_scoped3A = tpu.sem_alloc : memref<!tpu.dma_semaphore, #tpu.memory_space<semaphore_mem>>
      %dma_start3A_32 = arith.constant 0 : i32
      %dma_start3A_33 = arith.constant 0 : i32
      %dma_start3A_34 = tpu.memref_slice %arg3[%arg1, %dma_start3A_32, %dma_start3A_33] : memref<16x158x128xi32, #tpu.memory_space<hbm>> -> memref<1x158x128xi32, #tpu.memory_space<hbm>>
      %dma_start3A_35 = tpu.memref_squeeze %dma_start3A_34 : memref<1x158x128xi32, #tpu.memory_space<hbm>> -> memref<158x128xi32, #tpu.memory_space<hbm>>
      %dma_start3A_36 = arith.constant 0 : i32
      %dma_start3A_37 = arith.constant 0 : i32
      %dma_start3A_38 = tpu.memref_slice %arg3[%arg1, %dma_start3A_36, %dma_start3A_37] : memref<16x158x128xi32, #tpu.memory_space<hbm>> -> memref<1x158x128xi32, #tpu.memory_space<hbm>>
      %dma_start3A_39 = tpu.memref_squeeze %dma_start3A_38 : memref<1x158x128xi32, #tpu.memory_space<hbm>> -> memref<158x128xi32, #tpu.memory_space<hbm>>
      tpu.enqueue_dma source(%dma_start3A_39 : memref<158x128xi32, #tpu.memory_space<hbm>>) target(%arg7 : memref<158x128xi32, #tpu.memory_space<vmem>>) target_semaphore(%run_scoped3A : memref<!tpu.dma_semaphore, #tpu.memory_space<semaphore_mem>>)
      %dma_wait3A = arith.constant 0 : i32
      %dma_wait3A_40 = arith.constant 0 : i32
      %dma_wait3A_41 = tpu.memref_slice %arg3[%arg1, %dma_wait3A, %dma_wait3A_40] : memref<16x158x128xi32, #tpu.memory_space<hbm>> -> memref<1x158x128xi32, #tpu.memory_space<hbm>>
      %dma_wait3A_42 = tpu.memref_squeeze %dma_wait3A_41 : memref<1x158x128xi32, #tpu.memory_space<hbm>> -> memref<158x128xi32, #tpu.memory_space<hbm>>
      %dma_wait3A_43 = arith.constant 0 : i32
      %dma_wait3A_44 = arith.constant 0 : i32
      %dma_wait3A_45 = tpu.memref_slice %arg3[%arg1, %dma_wait3A_43, %dma_wait3A_44] : memref<16x158x128xi32, #tpu.memory_space<hbm>> -> memref<1x158x128xi32, #tpu.memory_space<hbm>>
      %dma_wait3A_46 = tpu.memref_squeeze %dma_wait3A_45 : memref<1x158x128xi32, #tpu.memory_space<hbm>> -> memref<158x128xi32, #tpu.memory_space<hbm>>
      tpu.wait_dma2 semaphore(%run_scoped3A : memref<!tpu.dma_semaphore, #tpu.memory_space<semaphore_mem>>) src(%dma_wait3A_46 : memref<158x128xi32, #tpu.memory_space<hbm>>) dst(%arg7 : memref<158x128xi32, #tpu.memory_space<vmem>>)
      tpu.yield
    }) : () -> ()
    "tpu.region"() ({
      %run_scoped3A = tpu.sem_alloc : memref<!tpu.dma_semaphore, #tpu.memory_space<semaphore_mem>>
      %dma_start3A_32 = arith.constant 0 : i32
      %dma_start3A_33 = arith.constant 0 : i32
      %dma_start3A_34 = tpu.memref_slice %arg4[%arg1, %dma_start3A_32, %dma_start3A_33] : memref<16x158x128xi32, #tpu.memory_space<hbm>> -> memref<1x158x128xi32, #tpu.memory_space<hbm>>
      %dma_start3A_35 = tpu.memref_squeeze %dma_start3A_34 : memref<1x158x128xi32, #tpu.memory_space<hbm>> -> memref<158x128xi32, #tpu.memory_space<hbm>>
      %dma_start3A_36 = arith.constant 0 : i32
      %dma_start3A_37 = arith.constant 0 : i32
      %dma_start3A_38 = tpu.memref_slice %arg4[%arg1, %dma_start3A_36, %dma_start3A_37] : memref<16x158x128xi32, #tpu.memory_space<hbm>> -> memref<1x158x128xi32, #tpu.memory_space<hbm>>
      %dma_start3A_39 = tpu.memref_squeeze %dma_start3A_38 : memref<1x158x128xi32, #tpu.memory_space<hbm>> -> memref<158x128xi32, #tpu.memory_space<hbm>>
      tpu.enqueue_dma source(%dma_start3A_39 : memref<158x128xi32, #tpu.memory_space<hbm>>) target(%arg8 : memref<158x128xi32, #tpu.memory_space<vmem>>) target_semaphore(%run_scoped3A : memref<!tpu.dma_semaphore, #tpu.memory_space<semaphore_mem>>)
      %dma_wait3A = arith.constant 0 : i32
      %dma_wait3A_40 = arith.constant 0 : i32
      %dma_wait3A_41 = tpu.memref_slice %arg4[%arg1, %dma_wait3A, %dma_wait3A_40] : memref<16x158x128xi32, #tpu.memory_space<hbm>> -> memref<1x158x128xi32, #tpu.memory_space<hbm>>
      %dma_wait3A_42 = tpu.memref_squeeze %dma_wait3A_41 : memref<1x158x128xi32, #tpu.memory_space<hbm>> -> memref<158x128xi32, #tpu.memory_space<hbm>>
      %dma_wait3A_43 = arith.constant 0 : i32
      %dma_wait3A_44 = arith.constant 0 : i32
      %dma_wait3A_45 = tpu.memref_slice %arg4[%arg1, %dma_wait3A_43, %dma_wait3A_44] : memref<16x158x128xi32, #tpu.memory_space<hbm>> -> memref<1x158x128xi32, #tpu.memory_space<hbm>>
      %dma_wait3A_46 = tpu.memref_squeeze %dma_wait3A_45 : memref<1x158x128xi32, #tpu.memory_space<hbm>> -> memref<158x128xi32, #tpu.memory_space<hbm>>
      tpu.wait_dma2 semaphore(%run_scoped3A : memref<!tpu.dma_semaphore, #tpu.memory_space<semaphore_mem>>) src(%dma_wait3A_46 : memref<158x128xi32, #tpu.memory_space<hbm>>) dst(%arg8 : memref<158x128xi32, #tpu.memory_space<vmem>>)
      tpu.yield
    }) : () -> ()
    %lt3A = arith.constant 15 : i32
    %lt3A_0 = arith.cmpi slt, %arg1, %lt3A : i32
    %convert_element_type3A = arith.extui %lt3A_0 : i1 to i32
    %cond3A = arith.constant 0 : i32
    %cond3A_1 = arith.cmpi ne, %convert_element_type3A, %cond3A : i32
    scf.if %cond3A_1 {
      %mul3A = arith.constant 632 : i32
      %mul3A_32 = arith.muli %arg1, %mul3A : i32
      "tpu.region"() ({
        %run_scoped3A = tpu.sem_alloc : memref<!tpu.dma_semaphore, #tpu.memory_space<semaphore_mem>>
        %dma_start3A_33 = arith.constant 0 : i32
        %dma_start3A_34 = tpu.memref_slice %arg11[%mul3A_32, %dma_start3A_33] : memref<10008x64xf32, #tpu.memory_space<vmem_shared>> -> memref<632x64xf32, #tpu.memory_space<vmem_shared>>
        %dma_start3A_35 = arith.constant 0 : i32
        %dma_start3A_36 = arith.constant 0 : i32
        %dma_start3A_37 = tpu.memref_slice %arg5[%dma_start3A_35, %dma_start3A_36] : memref<632x64xf32, #tpu.memory_space<hbm>> -> memref<632x64xf32, #tpu.memory_space<hbm>>
        tpu.enqueue_dma source(%dma_start3A_37 : memref<632x64xf32, #tpu.memory_space<hbm>>) target(%dma_start3A_34 : memref<632x64xf32, #tpu.memory_space<vmem_shared>>) target_semaphore(%run_scoped3A : memref<!tpu.dma_semaphore, #tpu.memory_space<semaphore_mem>>)
        %dma_wait3A = arith.constant 0 : i32
        %dma_wait3A_38 = tpu.memref_slice %arg11[%mul3A_32, %dma_wait3A] : memref<10008x64xf32, #tpu.memory_space<vmem_shared>> -> memref<632x64xf32, #tpu.memory_space<vmem_shared>>
        %dma_wait3A_39 = arith.constant 0 : i32
        %dma_wait3A_40 = arith.constant 0 : i32
        %dma_wait3A_41 = tpu.memref_slice %arg5[%dma_wait3A_39, %dma_wait3A_40] : memref<632x64xf32, #tpu.memory_space<hbm>> -> memref<632x64xf32, #tpu.memory_space<hbm>>
        tpu.wait_dma2 semaphore(%run_scoped3A : memref<!tpu.dma_semaphore, #tpu.memory_space<semaphore_mem>>) src(%dma_wait3A_41 : memref<632x64xf32, #tpu.memory_space<hbm>>) dst(%dma_wait3A_38 : memref<632x64xf32, #tpu.memory_space<vmem_shared>>)
        tpu.yield
      }) : () -> ()
    } else {
    }
    %eq3A = arith.constant 15 : i32
    %eq3A_2 = arith.cmpi eq, %arg1, %eq3A : i32
    %convert_element_type3A_3 = arith.extui %eq3A_2 : i1 to i32
    %cond3A_4 = arith.constant 0 : i32
    %cond3A_5 = arith.cmpi ne, %convert_element_type3A_3, %cond3A_4 : i32
    scf.if %cond3A_5 {
      "tpu.region"() ({
        %run_scoped3A = tpu.sem_alloc : memref<!tpu.dma_semaphore, #tpu.memory_space<semaphore_mem>>
        %dma_start3A_32 = arith.constant 9480 : i32
        %dma_start3A_33 = arith.constant 0 : i32
        %dma_start3A_34 = tpu.memref_slice %arg11[%dma_start3A_32, %dma_start3A_33] : memref<10008x64xf32, #tpu.memory_space<vmem_shared>> -> memref<528x64xf32, #tpu.memory_space<vmem_shared>>
        %dma_start3A_35 = arith.constant 0 : i32
        %dma_start3A_36 = arith.constant 0 : i32
        %dma_start3A_37 = tpu.memref_slice %arg5[%dma_start3A_35, %dma_start3A_36] : memref<632x64xf32, #tpu.memory_space<hbm>> -> memref<528x64xf32, #tpu.memory_space<hbm>>
        tpu.enqueue_dma source(%dma_start3A_37 : memref<528x64xf32, #tpu.memory_space<hbm>>) target(%dma_start3A_34 : memref<528x64xf32, #tpu.memory_space<vmem_shared>>) target_semaphore(%run_scoped3A : memref<!tpu.dma_semaphore, #tpu.memory_space<semaphore_mem>>)
        %dma_wait3A = arith.constant 9480 : i32
        %dma_wait3A_38 = arith.constant 0 : i32
        %dma_wait3A_39 = tpu.memref_slice %arg11[%dma_wait3A, %dma_wait3A_38] : memref<10008x64xf32, #tpu.memory_space<vmem_shared>> -> memref<528x64xf32, #tpu.memory_space<vmem_shared>>
        %dma_wait3A_40 = arith.constant 0 : i32
        %dma_wait3A_41 = arith.constant 0 : i32
        %dma_wait3A_42 = tpu.memref_slice %arg5[%dma_wait3A_40, %dma_wait3A_41] : memref<632x64xf32, #tpu.memory_space<hbm>> -> memref<528x64xf32, #tpu.memory_space<hbm>>
        tpu.wait_dma2 semaphore(%run_scoped3A : memref<!tpu.dma_semaphore, #tpu.memory_space<semaphore_mem>>) src(%dma_wait3A_42 : memref<528x64xf32, #tpu.memory_space<hbm>>) dst(%dma_wait3A_39 : memref<528x64xf32, #tpu.memory_space<vmem_shared>>)
        tpu.yield
      }) : () -> ()
    } else {
    }
    %barrier3A = arith.constant 0 : index
    tpu.barrier barrier_id(%barrier3A)
    %dma_start3A = arith.constant 0 : i32
    %dma_start3A_6 = arith.constant 0 : i32
    %dma_start3A_7 = tpu.memref_slice %arg7[%dma_start3A, %dma_start3A_6] : memref<158x128xi32, #tpu.memory_space<vmem>> -> memref<1x128xi32, #tpu.memory_space<vmem>>
    %dma_start3A_8 = tpu.memref_squeeze %dma_start3A_7 : memref<1x128xi32, #tpu.memory_space<vmem>> -> memref<128xi32, #tpu.memory_space<vmem>>
    %dma_start3A_9 = arith.constant 0 : i32
    %dma_start3A_10 = arith.constant 0 : i32
    %dma_start3A_11 = tpu.memref_slice %arg2[%arg0, %dma_start3A_9, %dma_start3A_10] : memref<2x10000x64xf32, #tpu.memory_space<hbm>> -> memref<1x10000x64xf32, #tpu.memory_space<hbm>>
    %dma_start3A_12 = tpu.memref_squeeze %dma_start3A_11 : memref<1x10000x64xf32, #tpu.memory_space<hbm>> -> memref<10000x64xf32, #tpu.memory_space<hbm>>
    %dma_start3A_13 = arith.constant 0 : i32
    %dma_start3A_14 = arith.constant 0 : i32
    %dma_start3A_15 = tpu.memref_slice %dma_start3A_12[%dma_start3A_13, %dma_start3A_14] : memref<10000x64xf32, #tpu.memory_space<hbm>> -> memref<10000x64xf32, #tpu.memory_space<hbm>>
    tpu.enqueue_indirect_dma source(%dma_start3A_15 : memref<10000x64xf32, #tpu.memory_space<hbm>>) target(%arg9 : memref<128x64xf32, #tpu.memory_space<vmem>>) offsets(%dma_start3A_8 : memref<128xi32, #tpu.memory_space<vmem>>) semaphore(%arg12 : memref<!tpu.dma_semaphore, #tpu.memory_space<semaphore_mem>>)
    %scan3A = arith.constant 0 : i32
    %scan3A_16 = arith.constant 0 : i32
    %scan3A_17 = arith.constant 79 : i32
    %scan3A_18 = arith.addi %scan3A_16, %scan3A_17 : i32
    %scan3A_19 = arith.constant 1 : i32
    scf.for %scan3A_32 = %scan3A_16 to %scan3A_18 step %scan3A_19  : i32 {
      %mul3A = arith.constant 2 : i32
      %mul3A_33 = arith.muli %mul3A, %scan3A_32 : i32
      %add3A = arith.constant 1 : i32
      %add3A_34 = arith.addi %mul3A_33, %add3A : i32
      %dma_start3A_35 = arith.constant 0 : i32
      %dma_start3A_36 = tpu.memref_slice %arg7[%add3A_34, %dma_start3A_35] : memref<158x128xi32, #tpu.memory_space<vmem>> -> memref<1x128xi32, #tpu.memory_space<vmem>>
      %dma_start3A_37 = tpu.memref_squeeze %dma_start3A_36 : memref<1x128xi32, #tpu.memory_space<vmem>> -> memref<128xi32, #tpu.memory_space<vmem>>
      %dma_start3A_38 = arith.constant 0 : i32
      %dma_start3A_39 = arith.constant 0 : i32
      %dma_start3A_40 = tpu.memref_slice %arg2[%arg0, %dma_start3A_38, %dma_start3A_39] : memref<2x10000x64xf32, #tpu.memory_space<hbm>> -> memref<1x10000x64xf32, #tpu.memory_space<hbm>>
      %dma_start3A_41 = tpu.memref_squeeze %dma_start3A_40 : memref<1x10000x64xf32, #tpu.memory_space<hbm>> -> memref<10000x64xf32, #tpu.memory_space<hbm>>
      %dma_start3A_42 = arith.constant 0 : i32
      %dma_start3A_43 = arith.constant 0 : i32
      %dma_start3A_44 = tpu.memref_slice %dma_start3A_41[%dma_start3A_42, %dma_start3A_43] : memref<10000x64xf32, #tpu.memory_space<hbm>> -> memref<10000x64xf32, #tpu.memory_space<hbm>>
      tpu.enqueue_indirect_dma source(%dma_start3A_44 : memref<10000x64xf32, #tpu.memory_space<hbm>>) target(%arg10 : memref<128x64xf32, #tpu.memory_space<vmem>>) offsets(%dma_start3A_37 : memref<128xi32, #tpu.memory_space<vmem>>) semaphore(%arg13 : memref<!tpu.dma_semaphore, #tpu.memory_space<semaphore_mem>>)
      %dma_wait3A = arith.constant 0 : i32
      %dma_wait3A_45 = tpu.memref_slice %arg7[%mul3A_33, %dma_wait3A] : memref<158x128xi32, #tpu.memory_space<vmem>> -> memref<1x128xi32, #tpu.memory_space<vmem>>
      %dma_wait3A_46 = tpu.memref_squeeze %dma_wait3A_45 : memref<1x128xi32, #tpu.memory_space<vmem>> -> memref<128xi32, #tpu.memory_space<vmem>>
      %dma_wait3A_47 = arith.constant 0 : i32
      %dma_wait3A_48 = arith.constant 0 : i32
      %dma_wait3A_49 = tpu.memref_slice %arg2[%arg0, %dma_wait3A_47, %dma_wait3A_48] : memref<2x10000x64xf32, #tpu.memory_space<hbm>> -> memref<1x10000x64xf32, #tpu.memory_space<hbm>>
      %dma_wait3A_50 = tpu.memref_squeeze %dma_wait3A_49 : memref<1x10000x64xf32, #tpu.memory_space<hbm>> -> memref<10000x64xf32, #tpu.memory_space<hbm>>
      %dma_wait3A_51 = arith.constant 0 : i32
      %dma_wait3A_52 = arith.constant 0 : i32
      %dma_wait3A_53 = tpu.memref_slice %dma_wait3A_50[%dma_wait3A_51, %dma_wait3A_52] : memref<10000x64xf32, #tpu.memory_space<hbm>> -> memref<10000x64xf32, #tpu.memory_space<hbm>>
      tpu.wait_indirect_dma semaphore(%arg12 : memref<!tpu.dma_semaphore, #tpu.memory_space<semaphore_mem>>) src(%dma_wait3A_53 : memref<10000x64xf32, #tpu.memory_space<hbm>>) dst(%arg9 : memref<128x64xf32, #tpu.memory_space<vmem>>)
      "tpu.region"() ({
        %run_scoped3A = tpu.sem_alloc : memref<!tpu.dma_semaphore, #tpu.memory_space<semaphore_mem>>
        %dma_start3A_73 = arith.constant 0 : i32
        %dma_start3A_74 = tpu.memref_slice %arg8[%mul3A_33, %dma_start3A_73] : memref<158x128xi32, #tpu.memory_space<vmem>> -> memref<1x128xi32, #tpu.memory_space<vmem>>
        %dma_start3A_75 = tpu.memref_squeeze %dma_start3A_74 : memref<1x128xi32, #tpu.memory_space<vmem>> -> memref<128xi32, #tpu.memory_space<vmem>>
        %dma_start3A_76 = arith.constant 0 : i32
        %dma_start3A_77 = arith.constant 0 : i32
        %dma_start3A_78 = tpu.memref_slice %arg11[%dma_start3A_76, %dma_start3A_77] : memref<10008x64xf32, #tpu.memory_space<vmem_shared>> -> memref<10008x64xf32, #tpu.memory_space<vmem_shared>>
        tpu.enqueue_indirect_dma source(%arg9 : memref<128x64xf32, #tpu.memory_space<vmem>>) target(%dma_start3A_78 : memref<10008x64xf32, #tpu.memory_space<vmem_shared>>) offsets(%dma_start3A_75 : memref<128xi32, #tpu.memory_space<vmem>>) semaphore(%run_scoped3A : memref<!tpu.dma_semaphore, #tpu.memory_space<semaphore_mem>>) {add = true}
        %dma_wait3A_79 = arith.constant 0 : i32
        %dma_wait3A_80 = tpu.memref_slice %arg8[%mul3A_33, %dma_wait3A_79] : memref<158x128xi32, #tpu.memory_space<vmem>> -> memref<1x128xi32, #tpu.memory_space<vmem>>
        %dma_wait3A_81 = tpu.memref_squeeze %dma_wait3A_80 : memref<1x128xi32, #tpu.memory_space<vmem>> -> memref<128xi32, #tpu.memory_space<vmem>>
        %dma_wait3A_82 = arith.constant 0 : i32
        %dma_wait3A_83 = arith.constant 0 : i32
        %dma_wait3A_84 = tpu.memref_slice %arg11[%dma_wait3A_82, %dma_wait3A_83] : memref<10008x64xf32, #tpu.memory_space<vmem_shared>> -> memref<10008x64xf32, #tpu.memory_space<vmem_shared>>
        tpu.wait_indirect_dma semaphore(%run_scoped3A : memref<!tpu.dma_semaphore, #tpu.memory_space<semaphore_mem>>) src(%arg9 : memref<128x64xf32, #tpu.memory_space<vmem>>) dst(%dma_wait3A_84 : memref<10008x64xf32, #tpu.memory_space<vmem_shared>>)
        tpu.yield
      }) : () -> ()
      %lt3A_54 = arith.constant 78 : i32
      %lt3A_55 = arith.cmpi slt, %scan3A_32, %lt3A_54 : i32
      %convert_element_type3A_56 = arith.extui %lt3A_55 : i1 to i32
      %cond3A_57 = arith.constant 0 : i32
      %cond3A_58 = arith.cmpi ne, %convert_element_type3A_56, %cond3A_57 : i32
      scf.if %cond3A_58 {
        %add3A_73 = arith.constant 2 : i32
        %add3A_74 = arith.addi %mul3A_33, %add3A_73 : i32
        %dma_start3A_75 = arith.constant 0 : i32
        %dma_start3A_76 = tpu.memref_slice %arg7[%add3A_74, %dma_start3A_75] : memref<158x128xi32, #tpu.memory_space<vmem>> -> memref<1x128xi32, #tpu.memory_space<vmem>>
        %dma_start3A_77 = tpu.memref_squeeze %dma_start3A_76 : memref<1x128xi32, #tpu.memory_space<vmem>> -> memref<128xi32, #tpu.memory_space<vmem>>
        %dma_start3A_78 = arith.constant 0 : i32
        %dma_start3A_79 = arith.constant 0 : i32
        %dma_start3A_80 = tpu.memref_slice %arg2[%arg0, %dma_start3A_78, %dma_start3A_79] : memref<2x10000x64xf32, #tpu.memory_space<hbm>> -> memref<1x10000x64xf32, #tpu.memory_space<hbm>>
        %dma_start3A_81 = tpu.memref_squeeze %dma_start3A_80 : memref<1x10000x64xf32, #tpu.memory_space<hbm>> -> memref<10000x64xf32, #tpu.memory_space<hbm>>
        %dma_start3A_82 = arith.constant 0 : i32
        %dma_start3A_83 = arith.constant 0 : i32
        %dma_start3A_84 = tpu.memref_slice %dma_start3A_81[%dma_start3A_82, %dma_start3A_83] : memref<10000x64xf32, #tpu.memory_space<hbm>> -> memref<10000x64xf32, #tpu.memory_space<hbm>>
        tpu.enqueue_indirect_dma source(%dma_start3A_84 : memref<10000x64xf32, #tpu.memory_space<hbm>>) target(%arg9 : memref<128x64xf32, #tpu.memory_space<vmem>>) offsets(%dma_start3A_77 : memref<128xi32, #tpu.memory_space<vmem>>) semaphore(%arg12 : memref<!tpu.dma_semaphore, #tpu.memory_space<semaphore_mem>>)
      } else {
      }
      %add3A_59 = arith.constant 1 : i32
      %add3A_60 = arith.addi %mul3A_33, %add3A_59 : i32
      %dma_wait3A_61 = arith.constant 0 : i32
      %dma_wait3A_62 = tpu.memref_slice %arg7[%add3A_60, %dma_wait3A_61] : memref<158x128xi32, #tpu.memory_space<vmem>> -> memref<1x128xi32, #tpu.memory_space<vmem>>
      %dma_wait3A_63 = tpu.memref_squeeze %dma_wait3A_62 : memref<1x128xi32, #tpu.memory_space<vmem>> -> memref<128xi32, #tpu.memory_space<vmem>>
      %dma_wait3A_64 = arith.constant 0 : i32
      %dma_wait3A_65 = arith.constant 0 : i32
      %dma_wait3A_66 = tpu.memref_slice %arg2[%arg0, %dma_wait3A_64, %dma_wait3A_65] : memref<2x10000x64xf32, #tpu.memory_space<hbm>> -> memref<1x10000x64xf32, #tpu.memory_space<hbm>>
      %dma_wait3A_67 = tpu.memref_squeeze %dma_wait3A_66 : memref<1x10000x64xf32, #tpu.memory_space<hbm>> -> memref<10000x64xf32, #tpu.memory_space<hbm>>
      %dma_wait3A_68 = arith.constant 0 : i32
      %dma_wait3A_69 = arith.constant 0 : i32
      %dma_wait3A_70 = tpu.memref_slice %dma_wait3A_67[%dma_wait3A_68, %dma_wait3A_69] : memref<10000x64xf32, #tpu.memory_space<hbm>> -> memref<10000x64xf32, #tpu.memory_space<hbm>>
      tpu.wait_indirect_dma semaphore(%arg13 : memref<!tpu.dma_semaphore, #tpu.memory_space<semaphore_mem>>) src(%dma_wait3A_70 : memref<10000x64xf32, #tpu.memory_space<hbm>>) dst(%arg10 : memref<128x64xf32, #tpu.memory_space<vmem>>)
      %add3A_71 = arith.constant 1 : i32
      %add3A_72 = arith.addi %mul3A_33, %add3A_71 : i32
      "tpu.region"() ({
        %run_scoped3A = tpu.sem_alloc : memref<!tpu.dma_semaphore, #tpu.memory_space<semaphore_mem>>
        %dma_start3A_73 = arith.constant 0 : i32
        %dma_start3A_74 = tpu.memref_slice %arg8[%add3A_72, %dma_start3A_73] : memref<158x128xi32, #tpu.memory_space<vmem>> -> memref<1x128xi32, #tpu.memory_space<vmem>>
        %dma_start3A_75 = tpu.memref_squeeze %dma_start3A_74 : memref<1x128xi32, #tpu.memory_space<vmem>> -> memref<128xi32, #tpu.memory_space<vmem>>
        %dma_start3A_76 = arith.constant 0 : i32
        %dma_start3A_77 = arith.constant 0 : i32
        %dma_start3A_78 = tpu.memref_slice %arg11[%dma_start3A_76, %dma_start3A_77] : memref<10008x64xf32, #tpu.memory_space<vmem_shared>> -> memref<10008x64xf32, #tpu.memory_space<vmem_shared>>
        tpu.enqueue_indirect_dma source(%arg10 : memref<128x64xf32, #tpu.memory_space<vmem>>) target(%dma_start3A_78 : memref<10008x64xf32, #tpu.memory_space<vmem_shared>>) offsets(%dma_start3A_75 : memref<128xi32, #tpu.memory_space<vmem>>) semaphore(%run_scoped3A : memref<!tpu.dma_semaphore, #tpu.memory_space<semaphore_mem>>) {add = true}
        %dma_wait3A_79 = arith.constant 0 : i32
        %dma_wait3A_80 = tpu.memref_slice %arg8[%add3A_72, %dma_wait3A_79] : memref<158x128xi32, #tpu.memory_space<vmem>> -> memref<1x128xi32, #tpu.memory_space<vmem>>
        %dma_wait3A_81 = tpu.memref_squeeze %dma_wait3A_80 : memref<1x128xi32, #tpu.memory_space<vmem>> -> memref<128xi32, #tpu.memory_space<vmem>>
        %dma_wait3A_82 = arith.constant 0 : i32
        %dma_wait3A_83 = arith.constant 0 : i32
        %dma_wait3A_84 = tpu.memref_slice %arg11[%dma_wait3A_82, %dma_wait3A_83] : memref<10008x64xf32, #tpu.memory_space<vmem_shared>> -> memref<10008x64xf32, #tpu.memory_space<vmem_shared>>
        tpu.wait_indirect_dma semaphore(%run_scoped3A : memref<!tpu.dma_semaphore, #tpu.memory_space<semaphore_mem>>) src(%arg10 : memref<128x64xf32, #tpu.memory_space<vmem>>) dst(%dma_wait3A_84 : memref<10008x64xf32, #tpu.memory_space<vmem_shared>>)
        tpu.yield
      }) : () -> ()
    }
    %scan3A_20 = arith.constant 79 : i32
    %barrier3A_21 = arith.constant 0 : index
    tpu.barrier barrier_id(%barrier3A_21)
    %lt3A_22 = arith.constant 15 : i32
    %lt3A_23 = arith.cmpi slt, %arg1, %lt3A_22 : i32
    %convert_element_type3A_24 = arith.extui %lt3A_23 : i1 to i32
    %cond3A_25 = arith.constant 0 : i32
    %cond3A_26 = arith.cmpi ne, %convert_element_type3A_24, %cond3A_25 : i32
    scf.if %cond3A_26 {
      %mul3A = arith.constant 632 : i32
      %mul3A_32 = arith.muli %arg1, %mul3A : i32
      %mul3A_33 = arith.constant 632 : i32
      %mul3A_34 = arith.muli %arg1, %mul3A_33 : i32
      "tpu.region"() ({
        %run_scoped3A = tpu.sem_alloc : memref<!tpu.dma_semaphore, #tpu.memory_space<semaphore_mem>>
        %dma_start3A_35 = arith.constant 0 : i32
        %dma_start3A_36 = tpu.memref_slice %arg6[%arg0, %mul3A_34, %dma_start3A_35] : memref<2x10000x64xf32, #tpu.memory_space<hbm>> -> memref<1x632x64xf32, #tpu.memory_space<hbm>>
        %dma_start3A_37 = tpu.memref_squeeze %dma_start3A_36 : memref<1x632x64xf32, #tpu.memory_space<hbm>> -> memref<632x64xf32, #tpu.memory_space<hbm>>
        %dma_start3A_38 = arith.constant 0 : i32
        %dma_start3A_39 = tpu.memref_slice %arg11[%mul3A_32, %dma_start3A_38] : memref<10008x64xf32, #tpu.memory_space<vmem_shared>> -> memref<632x64xf32, #tpu.memory_space<vmem_shared>>
        tpu.enqueue_dma source(%dma_start3A_39 : memref<632x64xf32, #tpu.memory_space<vmem_shared>>) target(%dma_start3A_37 : memref<632x64xf32, #tpu.memory_space<hbm>>) target_semaphore(%run_scoped3A : memref<!tpu.dma_semaphore, #tpu.memory_space<semaphore_mem>>)
        %dma_wait3A = arith.constant 0 : i32
        %dma_wait3A_40 = tpu.memref_slice %arg6[%arg0, %mul3A_34, %dma_wait3A] : memref<2x10000x64xf32, #tpu.memory_space<hbm>> -> memref<1x632x64xf32, #tpu.memory_space<hbm>>
        %dma_wait3A_41 = tpu.memref_squeeze %dma_wait3A_40 : memref<1x632x64xf32, #tpu.memory_space<hbm>> -> memref<632x64xf32, #tpu.memory_space<hbm>>
        %dma_wait3A_42 = arith.constant 0 : i32
        %dma_wait3A_43 = tpu.memref_slice %arg11[%mul3A_32, %dma_wait3A_42] : memref<10008x64xf32, #tpu.memory_space<vmem_shared>> -> memref<632x64xf32, #tpu.memory_space<vmem_shared>>
        tpu.wait_dma2 semaphore(%run_scoped3A : memref<!tpu.dma_semaphore, #tpu.memory_space<semaphore_mem>>) src(%dma_wait3A_43 : memref<632x64xf32, #tpu.memory_space<vmem_shared>>) dst(%dma_wait3A_41 : memref<632x64xf32, #tpu.memory_space<hbm>>)
        tpu.yield
      }) : () -> ()
    } else {
    }
    %eq3A_27 = arith.constant 15 : i32
    %eq3A_28 = arith.cmpi eq, %arg1, %eq3A_27 : i32
    %convert_element_type3A_29 = arith.extui %eq3A_28 : i1 to i32
    %cond3A_30 = arith.constant 0 : i32
    %cond3A_31 = arith.cmpi ne, %convert_element_type3A_29, %cond3A_30 : i32
    scf.if %cond3A_31 {
      "tpu.region"() ({
        %run_scoped3A = tpu.sem_alloc : memref<!tpu.dma_semaphore, #tpu.memory_space<semaphore_mem>>
        %dma_start3A_32 = arith.constant 9480 : i32
        %dma_start3A_33 = arith.constant 0 : i32
        %dma_start3A_34 = tpu.memref_slice %arg6[%arg0, %dma_start3A_32, %dma_start3A_33] : memref<2x10000x64xf32, #tpu.memory_space<hbm>> -> memref<1x520x64xf32, #tpu.memory_space<hbm>>
        %dma_start3A_35 = tpu.memref_squeeze %dma_start3A_34 : memref<1x520x64xf32, #tpu.memory_space<hbm>> -> memref<520x64xf32, #tpu.memory_space<hbm>>
        %dma_start3A_36 = arith.constant 9480 : i32
        %dma_start3A_37 = arith.constant 0 : i32
        %dma_start3A_38 = tpu.memref_slice %arg11[%dma_start3A_36, %dma_start3A_37] : memref<10008x64xf32, #tpu.memory_space<vmem_shared>> -> memref<520x64xf32, #tpu.memory_space<vmem_shared>>
        tpu.enqueue_dma source(%dma_start3A_38 : memref<520x64xf32, #tpu.memory_space<vmem_shared>>) target(%dma_start3A_35 : memref<520x64xf32, #tpu.memory_space<hbm>>) target_semaphore(%run_scoped3A : memref<!tpu.dma_semaphore, #tpu.memory_space<semaphore_mem>>)
        %dma_wait3A = arith.constant 9480 : i32
        %dma_wait3A_39 = arith.constant 0 : i32
        %dma_wait3A_40 = tpu.memref_slice %arg6[%arg0, %dma_wait3A, %dma_wait3A_39] : memref<2x10000x64xf32, #tpu.memory_space<hbm>> -> memref<1x520x64xf32, #tpu.memory_space<hbm>>
        %dma_wait3A_41 = tpu.memref_squeeze %dma_wait3A_40 : memref<1x520x64xf32, #tpu.memory_space<hbm>> -> memref<520x64xf32, #tpu.memory_space<hbm>>
        %dma_wait3A_42 = arith.constant 9480 : i32
        %dma_wait3A_43 = arith.constant 0 : i32
        %dma_wait3A_44 = tpu.memref_slice %arg11[%dma_wait3A_42, %dma_wait3A_43] : memref<10008x64xf32, #tpu.memory_space<vmem_shared>> -> memref<520x64xf32, #tpu.memory_space<vmem_shared>>
        tpu.wait_dma2 semaphore(%run_scoped3A : memref<!tpu.dma_semaphore, #tpu.memory_space<semaphore_mem>>) src(%dma_wait3A_44 : memref<520x64xf32, #tpu.memory_space<vmem_shared>>) dst(%dma_wait3A_41 : memref<520x64xf32, #tpu.memory_space<hbm>>)
        tpu.yield
      }) : () -> ()
    } else {
    }
    return
  }
}

#map = affine_map<(d0, d1) -> (0, 0, 0)>
#map1 = affine_map<(d0, d1) -> (0, 0)>
module attributes {stable_mosaic.version = 14 : i64} {
  func.func @_sc_body(%arg0: i32, %arg1: i32, %arg2: memref<2x10000x64xf32, #tpu.memory_space<hbm>>, %arg3: memref<16x158x128xi32, #tpu.memory_space<hbm>>, %arg4: memref<16x158x128xi32, #tpu.memory_space<hbm>>, %arg5: memref<632x64xf32, #tpu.memory_space<hbm>>, %arg6: memref<2x10000x64xf32, #tpu.memory_space<hbm>>, %arg7: memref<158x128xi32, #tpu.memory_space<vmem>>, %arg8: memref<158x128xi32, #tpu.memory_space<vmem>>, %arg9: memref<128x64xf32, #tpu.memory_space<vmem>>, %arg10: memref<128x64xf32, #tpu.memory_space<vmem>>, %arg11: memref<10008x64xf32, #tpu.memory_space<vmem_shared>>, %arg12: memref<!tpu.dma_semaphore, #tpu.memory_space<semaphore_mem>>, %arg13: memref<!tpu.dma_semaphore, #tpu.memory_space<semaphore_mem>>) attributes {dimension_semantics = [#tpu.dimension_semantics<core_parallel>, #tpu.dimension_semantics<subcore_parallel>], iteration_bounds = array<i64: 2, 16>, scalar_prefetch = 0 : i64, scratch_operands = 7 : i64, tpu.core_type = #tpu.core_type<sc_vector_subcore>, window_params = [{transform_indices = #map}, {transform_indices = #map}, {transform_indices = #map}, {transform_indices = #map1}, {transform_indices = #map}]} {
    "tpu.region"() ({
      %run_scoped3A = tpu.sem_alloc : memref<!tpu.dma_semaphore, #tpu.memory_space<semaphore_mem>>
      %dma_start3A_32 = arith.constant 0 : i32
      %dma_start3A_33 = arith.constant 0 : i32
      %dma_start3A_34 = tpu.memref_slice %arg3[%arg1, %dma_start3A_32, %dma_start3A_33] : memref<16x158x128xi32, #tpu.memory_space<hbm>> -> memref<1x158x128xi32, #tpu.memory_space<hbm>>
      %dma_start3A_35 = tpu.memref_squeeze %dma_start3A_34 : memref<1x158x128xi32, #tpu.memory_space<hbm>> -> memref<158x128xi32, #tpu.memory_space<hbm>>
      %dma_start3A_36 = arith.constant 0 : i32
      %dma_start3A_37 = arith.constant 0 : i32
      %dma_start3A_38 = tpu.memref_slice %arg3[%arg1, %dma_start3A_36, %dma_start3A_37] : memref<16x158x128xi32, #tpu.memory_space<hbm>> -> memref<1x158x128xi32, #tpu.memory_space<hbm>>
      %dma_start3A_39 = tpu.memref_squeeze %dma_start3A_38 : memref<1x158x128xi32, #tpu.memory_space<hbm>> -> memref<158x128xi32, #tpu.memory_space<hbm>>
      tpu.enqueue_dma source(%dma_start3A_39 : memref<158x128xi32, #tpu.memory_space<hbm>>) target(%arg7 : memref<158x128xi32, #tpu.memory_space<vmem>>) target_semaphore(%run_scoped3A : memref<!tpu.dma_semaphore, #tpu.memory_space<semaphore_mem>>)
      %dma_wait3A = arith.constant 0 : i32
      %dma_wait3A_40 = arith.constant 0 : i32
      %dma_wait3A_41 = tpu.memref_slice %arg3[%arg1, %dma_wait3A, %dma_wait3A_40] : memref<16x158x128xi32, #tpu.memory_space<hbm>> -> memref<1x158x128xi32, #tpu.memory_space<hbm>>
      %dma_wait3A_42 = tpu.memref_squeeze %dma_wait3A_41 : memref<1x158x128xi32, #tpu.memory_space<hbm>> -> memref<158x128xi32, #tpu.memory_space<hbm>>
      %dma_wait3A_43 = arith.constant 0 : i32
      %dma_wait3A_44 = arith.constant 0 : i32
      %dma_wait3A_45 = tpu.memref_slice %arg3[%arg1, %dma_wait3A_43, %dma_wait3A_44] : memref<16x158x128xi32, #tpu.memory_space<hbm>> -> memref<1x158x128xi32, #tpu.memory_space<hbm>>
      %dma_wait3A_46 = tpu.memref_squeeze %dma_wait3A_45 : memref<1x158x128xi32, #tpu.memory_space<hbm>> -> memref<158x128xi32, #tpu.memory_space<hbm>>
      tpu.wait_dma2 semaphore(%run_scoped3A : memref<!tpu.dma_semaphore, #tpu.memory_space<semaphore_mem>>) src(%dma_wait3A_46 : memref<158x128xi32, #tpu.memory_space<hbm>>) dst(%arg7 : memref<158x128xi32, #tpu.memory_space<vmem>>)
      tpu.yield
    }) : () -> ()
    "tpu.region"() ({
      %run_scoped3A = tpu.sem_alloc : memref<!tpu.dma_semaphore, #tpu.memory_space<semaphore_mem>>
      %dma_start3A_32 = arith.constant 0 : i32
      %dma_start3A_33 = arith.constant 0 : i32
      %dma_start3A_34 = tpu.memref_slice %arg4[%arg1, %dma_start3A_32, %dma_start3A_33] : memref<16x158x128xi32, #tpu.memory_space<hbm>> -> memref<1x158x128xi32, #tpu.memory_space<hbm>>
      %dma_start3A_35 = tpu.memref_squeeze %dma_start3A_34 : memref<1x158x128xi32, #tpu.memory_space<hbm>> -> memref<158x128xi32, #tpu.memory_space<hbm>>
      %dma_start3A_36 = arith.constant 0 : i32
      %dma_start3A_37 = arith.constant 0 : i32
      %dma_start3A_38 = tpu.memref_slice %arg4[%arg1, %dma_start3A_36, %dma_start3A_37] : memref<16x158x128xi32, #tpu.memory_space<hbm>> -> memref<1x158x128xi32, #tpu.memory_space<hbm>>
      %dma_start3A_39 = tpu.memref_squeeze %dma_start3A_38 : memref<1x158x128xi32, #tpu.memory_space<hbm>> -> memref<158x128xi32, #tpu.memory_space<hbm>>
      tpu.enqueue_dma source(%dma_start3A_39 : memref<158x128xi32, #tpu.memory_space<hbm>>) target(%arg8 : memref<158x128xi32, #tpu.memory_space<vmem>>) target_semaphore(%run_scoped3A : memref<!tpu.dma_semaphore, #tpu.memory_space<semaphore_mem>>)
      %dma_wait3A = arith.constant 0 : i32
      %dma_wait3A_40 = arith.constant 0 : i32
      %dma_wait3A_41 = tpu.memref_slice %arg4[%arg1, %dma_wait3A, %dma_wait3A_40] : memref<16x158x128xi32, #tpu.memory_space<hbm>> -> memref<1x158x128xi32, #tpu.memory_space<hbm>>
      %dma_wait3A_42 = tpu.memref_squeeze %dma_wait3A_41 : memref<1x158x128xi32, #tpu.memory_space<hbm>> -> memref<158x128xi32, #tpu.memory_space<hbm>>
      %dma_wait3A_43 = arith.constant 0 : i32
      %dma_wait3A_44 = arith.constant 0 : i32
      %dma_wait3A_45 = tpu.memref_slice %arg4[%arg1, %dma_wait3A_43, %dma_wait3A_44] : memref<16x158x128xi32, #tpu.memory_space<hbm>> -> memref<1x158x128xi32, #tpu.memory_space<hbm>>
      %dma_wait3A_46 = tpu.memref_squeeze %dma_wait3A_45 : memref<1x158x128xi32, #tpu.memory_space<hbm>> -> memref<158x128xi32, #tpu.memory_space<hbm>>
      tpu.wait_dma2 semaphore(%run_scoped3A : memref<!tpu.dma_semaphore, #tpu.memory_space<semaphore_mem>>) src(%dma_wait3A_46 : memref<158x128xi32, #tpu.memory_space<hbm>>) dst(%arg8 : memref<158x128xi32, #tpu.memory_space<vmem>>)
      tpu.yield
    }) : () -> ()
    %lt3A = arith.constant 15 : i32
    %lt3A_0 = arith.cmpi slt, %arg1, %lt3A : i32
    %convert_element_type3A = arith.extui %lt3A_0 : i1 to i32
    %cond3A = arith.constant 0 : i32
    %cond3A_1 = arith.cmpi ne, %convert_element_type3A, %cond3A : i32
    scf.if %cond3A_1 {
      %mul3A = arith.constant 632 : i32
      %mul3A_32 = arith.muli %arg1, %mul3A : i32
      "tpu.region"() ({
        %run_scoped3A = tpu.sem_alloc : memref<!tpu.dma_semaphore, #tpu.memory_space<semaphore_mem>>
        %dma_start3A_33 = arith.constant 0 : i32
        %dma_start3A_34 = tpu.memref_slice %arg11[%mul3A_32, %dma_start3A_33] : memref<10008x64xf32, #tpu.memory_space<vmem_shared>> -> memref<632x64xf32, #tpu.memory_space<vmem_shared>>
        %dma_start3A_35 = arith.constant 0 : i32
        %dma_start3A_36 = arith.constant 0 : i32
        %dma_start3A_37 = tpu.memref_slice %arg5[%dma_start3A_35, %dma_start3A_36] : memref<632x64xf32, #tpu.memory_space<hbm>> -> memref<632x64xf32, #tpu.memory_space<hbm>>
        tpu.enqueue_dma source(%dma_start3A_37 : memref<632x64xf32, #tpu.memory_space<hbm>>) target(%dma_start3A_34 : memref<632x64xf32, #tpu.memory_space<vmem_shared>>) target_semaphore(%run_scoped3A : memref<!tpu.dma_semaphore, #tpu.memory_space<semaphore_mem>>)
        %dma_wait3A = arith.constant 0 : i32
        %dma_wait3A_38 = tpu.memref_slice %arg11[%mul3A_32, %dma_wait3A] : memref<10008x64xf32, #tpu.memory_space<vmem_shared>> -> memref<632x64xf32, #tpu.memory_space<vmem_shared>>
        %dma_wait3A_39 = arith.constant 0 : i32
        %dma_wait3A_40 = arith.constant 0 : i32
        %dma_wait3A_41 = tpu.memref_slice %arg5[%dma_wait3A_39, %dma_wait3A_40] : memref<632x64xf32, #tpu.memory_space<hbm>> -> memref<632x64xf32, #tpu.memory_space<hbm>>
        tpu.wait_dma2 semaphore(%run_scoped3A : memref<!tpu.dma_semaphore, #tpu.memory_space<semaphore_mem>>) src(%dma_wait3A_41 : memref<632x64xf32, #tpu.memory_space<hbm>>) dst(%dma_wait3A_38 : memref<632x64xf32, #tpu.memory_space<vmem_shared>>)
        tpu.yield
      }) : () -> ()
    } else {
    }
    %eq3A = arith.constant 15 : i32
    %eq3A_2 = arith.cmpi eq, %arg1, %eq3A : i32
    %convert_element_type3A_3 = arith.extui %eq3A_2 : i1 to i32
    %cond3A_4 = arith.constant 0 : i32
    %cond3A_5 = arith.cmpi ne, %convert_element_type3A_3, %cond3A_4 : i32
    scf.if %cond3A_5 {
      "tpu.region"() ({
        %run_scoped3A = tpu.sem_alloc : memref<!tpu.dma_semaphore, #tpu.memory_space<semaphore_mem>>
        %dma_start3A_32 = arith.constant 9480 : i32
        %dma_start3A_33 = arith.constant 0 : i32
        %dma_start3A_34 = tpu.memref_slice %arg11[%dma_start3A_32, %dma_start3A_33] : memref<10008x64xf32, #tpu.memory_space<vmem_shared>> -> memref<528x64xf32, #tpu.memory_space<vmem_shared>>
        %dma_start3A_35 = arith.constant 0 : i32
        %dma_start3A_36 = arith.constant 0 : i32
        %dma_start3A_37 = tpu.memref_slice %arg5[%dma_start3A_35, %dma_start3A_36] : memref<632x64xf32, #tpu.memory_space<hbm>> -> memref<528x64xf32, #tpu.memory_space<hbm>>
        tpu.enqueue_dma source(%dma_start3A_37 : memref<528x64xf32, #tpu.memory_space<hbm>>) target(%dma_start3A_34 : memref<528x64xf32, #tpu.memory_space<vmem_shared>>) target_semaphore(%run_scoped3A : memref<!tpu.dma_semaphore, #tpu.memory_space<semaphore_mem>>)
        %dma_wait3A = arith.constant 9480 : i32
        %dma_wait3A_38 = arith.constant 0 : i32
        %dma_wait3A_39 = tpu.memref_slice %arg11[%dma_wait3A, %dma_wait3A_38] : memref<10008x64xf32, #tpu.memory_space<vmem_shared>> -> memref<528x64xf32, #tpu.memory_space<vmem_shared>>
        %dma_wait3A_40 = arith.constant 0 : i32
        %dma_wait3A_41 = arith.constant 0 : i32
        %dma_wait3A_42 = tpu.memref_slice %arg5[%dma_wait3A_40, %dma_wait3A_41] : memref<632x64xf32, #tpu.memory_space<hbm>> -> memref<528x64xf32, #tpu.memory_space<hbm>>
        tpu.wait_dma2 semaphore(%run_scoped3A : memref<!tpu.dma_semaphore, #tpu.memory_space<semaphore_mem>>) src(%dma_wait3A_42 : memref<528x64xf32, #tpu.memory_space<hbm>>) dst(%dma_wait3A_39 : memref<528x64xf32, #tpu.memory_space<vmem_shared>>)
        tpu.yield
      }) : () -> ()
    } else {
    }
    %barrier3A = arith.constant 0 : index
    tpu.barrier barrier_id(%barrier3A)
    %dma_start3A = arith.constant 0 : i32
    %dma_start3A_6 = arith.constant 0 : i32
    %dma_start3A_7 = tpu.memref_slice %arg7[%dma_start3A, %dma_start3A_6] : memref<158x128xi32, #tpu.memory_space<vmem>> -> memref<1x128xi32, #tpu.memory_space<vmem>>
    %dma_start3A_8 = tpu.memref_squeeze %dma_start3A_7 : memref<1x128xi32, #tpu.memory_space<vmem>> -> memref<128xi32, #tpu.memory_space<vmem>>
    %dma_start3A_9 = arith.constant 0 : i32
    %dma_start3A_10 = arith.constant 0 : i32
    %dma_start3A_11 = tpu.memref_slice %arg2[%arg0, %dma_start3A_9, %dma_start3A_10] : memref<2x10000x64xf32, #tpu.memory_space<hbm>> -> memref<1x10000x64xf32, #tpu.memory_space<hbm>>
    %dma_start3A_12 = tpu.memref_squeeze %dma_start3A_11 : memref<1x10000x64xf32, #tpu.memory_space<hbm>> -> memref<10000x64xf32, #tpu.memory_space<hbm>>
    %dma_start3A_13 = arith.constant 0 : i32
    %dma_start3A_14 = arith.constant 0 : i32
    %dma_start3A_15 = tpu.memref_slice %dma_start3A_12[%dma_start3A_13, %dma_start3A_14] : memref<10000x64xf32, #tpu.memory_space<hbm>> -> memref<10000x64xf32, #tpu.memory_space<hbm>>
    tpu.enqueue_indirect_dma source(%dma_start3A_15 : memref<10000x64xf32, #tpu.memory_space<hbm>>) target(%arg9 : memref<128x64xf32, #tpu.memory_space<vmem>>) offsets(%dma_start3A_8 : memref<128xi32, #tpu.memory_space<vmem>>) semaphore(%arg12 : memref<!tpu.dma_semaphore, #tpu.memory_space<semaphore_mem>>)
    %scan3A = arith.constant 0 : i32
    %scan3A_16 = arith.constant 0 : i32
    %scan3A_17 = arith.constant 79 : i32
    %scan3A_18 = arith.addi %scan3A_16, %scan3A_17 : i32
    %scan3A_19 = arith.constant 1 : i32
    scf.for %scan3A_32 = %scan3A_16 to %scan3A_18 step %scan3A_19  : i32 {
      %mul3A = arith.constant 2 : i32
      %mul3A_33 = arith.muli %mul3A, %scan3A_32 : i32
      %add3A = arith.constant 1 : i32
      %add3A_34 = arith.addi %mul3A_33, %add3A : i32
      %dma_start3A_35 = arith.constant 0 : i32
      %dma_start3A_36 = tpu.memref_slice %arg7[%add3A_34, %dma_start3A_35] : memref<158x128xi32, #tpu.memory_space<vmem>> -> memref<1x128xi32, #tpu.memory_space<vmem>>
      %dma_start3A_37 = tpu.memref_squeeze %dma_start3A_36 : memref<1x128xi32, #tpu.memory_space<vmem>> -> memref<128xi32, #tpu.memory_space<vmem>>
      %dma_start3A_38 = arith.constant 0 : i32
      %dma_start3A_39 = arith.constant 0 : i32
      %dma_start3A_40 = tpu.memref_slice %arg2[%arg0, %dma_start3A_38, %dma_start3A_39] : memref<2x10000x64xf32, #tpu.memory_space<hbm>> -> memref<1x10000x64xf32, #tpu.memory_space<hbm>>
      %dma_start3A_41 = tpu.memref_squeeze %dma_start3A_40 : memref<1x10000x64xf32, #tpu.memory_space<hbm>> -> memref<10000x64xf32, #tpu.memory_space<hbm>>
      %dma_start3A_42 = arith.constant 0 : i32
      %dma_start3A_43 = arith.constant 0 : i32
      %dma_start3A_44 = tpu.memref_slice %dma_start3A_41[%dma_start3A_42, %dma_start3A_43] : memref<10000x64xf32, #tpu.memory_space<hbm>> -> memref<10000x64xf32, #tpu.memory_space<hbm>>
      tpu.enqueue_indirect_dma source(%dma_start3A_44 : memref<10000x64xf32, #tpu.memory_space<hbm>>) target(%arg10 : memref<128x64xf32, #tpu.memory_space<vmem>>) offsets(%dma_start3A_37 : memref<128xi32, #tpu.memory_space<vmem>>) semaphore(%arg13 : memref<!tpu.dma_semaphore, #tpu.memory_space<semaphore_mem>>)
      %dma_wait3A = arith.constant 0 : i32
      %dma_wait3A_45 = tpu.memref_slice %arg7[%mul3A_33, %dma_wait3A] : memref<158x128xi32, #tpu.memory_space<vmem>> -> memref<1x128xi32, #tpu.memory_space<vmem>>
      %dma_wait3A_46 = tpu.memref_squeeze %dma_wait3A_45 : memref<1x128xi32, #tpu.memory_space<vmem>> -> memref<128xi32, #tpu.memory_space<vmem>>
      %dma_wait3A_47 = arith.constant 0 : i32
      %dma_wait3A_48 = arith.constant 0 : i32
      %dma_wait3A_49 = tpu.memref_slice %arg2[%arg0, %dma_wait3A_47, %dma_wait3A_48] : memref<2x10000x64xf32, #tpu.memory_space<hbm>> -> memref<1x10000x64xf32, #tpu.memory_space<hbm>>
      %dma_wait3A_50 = tpu.memref_squeeze %dma_wait3A_49 : memref<1x10000x64xf32, #tpu.memory_space<hbm>> -> memref<10000x64xf32, #tpu.memory_space<hbm>>
      %dma_wait3A_51 = arith.constant 0 : i32
      %dma_wait3A_52 = arith.constant 0 : i32
      %dma_wait3A_53 = tpu.memref_slice %dma_wait3A_50[%dma_wait3A_51, %dma_wait3A_52] : memref<10000x64xf32, #tpu.memory_space<hbm>> -> memref<10000x64xf32, #tpu.memory_space<hbm>>
      tpu.wait_indirect_dma semaphore(%arg12 : memref<!tpu.dma_semaphore, #tpu.memory_space<semaphore_mem>>) src(%dma_wait3A_53 : memref<10000x64xf32, #tpu.memory_space<hbm>>) dst(%arg9 : memref<128x64xf32, #tpu.memory_space<vmem>>)
      "tpu.region"() ({
        %run_scoped3A = tpu.sem_alloc : memref<!tpu.dma_semaphore, #tpu.memory_space<semaphore_mem>>
        %dma_start3A_73 = arith.constant 0 : i32
        %dma_start3A_74 = tpu.memref_slice %arg8[%mul3A_33, %dma_start3A_73] : memref<158x128xi32, #tpu.memory_space<vmem>> -> memref<1x128xi32, #tpu.memory_space<vmem>>
        %dma_start3A_75 = tpu.memref_squeeze %dma_start3A_74 : memref<1x128xi32, #tpu.memory_space<vmem>> -> memref<128xi32, #tpu.memory_space<vmem>>
        %dma_start3A_76 = arith.constant 0 : i32
        %dma_start3A_77 = arith.constant 0 : i32
        %dma_start3A_78 = tpu.memref_slice %arg11[%dma_start3A_76, %dma_start3A_77] : memref<10008x64xf32, #tpu.memory_space<vmem_shared>> -> memref<10008x64xf32, #tpu.memory_space<vmem_shared>>
        tpu.enqueue_indirect_dma source(%arg9 : memref<128x64xf32, #tpu.memory_space<vmem>>) target(%dma_start3A_78 : memref<10008x64xf32, #tpu.memory_space<vmem_shared>>) offsets(%dma_start3A_75 : memref<128xi32, #tpu.memory_space<vmem>>) semaphore(%run_scoped3A : memref<!tpu.dma_semaphore, #tpu.memory_space<semaphore_mem>>) {add = true}
        %dma_wait3A_79 = arith.constant 0 : i32
        %dma_wait3A_80 = tpu.memref_slice %arg8[%mul3A_33, %dma_wait3A_79] : memref<158x128xi32, #tpu.memory_space<vmem>> -> memref<1x128xi32, #tpu.memory_space<vmem>>
        %dma_wait3A_81 = tpu.memref_squeeze %dma_wait3A_80 : memref<1x128xi32, #tpu.memory_space<vmem>> -> memref<128xi32, #tpu.memory_space<vmem>>
        %dma_wait3A_82 = arith.constant 0 : i32
        %dma_wait3A_83 = arith.constant 0 : i32
        %dma_wait3A_84 = tpu.memref_slice %arg11[%dma_wait3A_82, %dma_wait3A_83] : memref<10008x64xf32, #tpu.memory_space<vmem_shared>> -> memref<10008x64xf32, #tpu.memory_space<vmem_shared>>
        tpu.wait_indirect_dma semaphore(%run_scoped3A : memref<!tpu.dma_semaphore, #tpu.memory_space<semaphore_mem>>) src(%arg9 : memref<128x64xf32, #tpu.memory_space<vmem>>) dst(%dma_wait3A_84 : memref<10008x64xf32, #tpu.memory_space<vmem_shared>>)
        tpu.yield
      }) : () -> ()
      %lt3A_54 = arith.constant 78 : i32
      %lt3A_55 = arith.cmpi slt, %scan3A_32, %lt3A_54 : i32
      %convert_element_type3A_56 = arith.extui %lt3A_55 : i1 to i32
      %cond3A_57 = arith.constant 0 : i32
      %cond3A_58 = arith.cmpi ne, %convert_element_type3A_56, %cond3A_57 : i32
      scf.if %cond3A_58 {
        %add3A_73 = arith.constant 2 : i32
        %add3A_74 = arith.addi %mul3A_33, %add3A_73 : i32
        %dma_start3A_75 = arith.constant 0 : i32
        %dma_start3A_76 = tpu.memref_slice %arg7[%add3A_74, %dma_start3A_75] : memref<158x128xi32, #tpu.memory_space<vmem>> -> memref<1x128xi32, #tpu.memory_space<vmem>>
        %dma_start3A_77 = tpu.memref_squeeze %dma_start3A_76 : memref<1x128xi32, #tpu.memory_space<vmem>> -> memref<128xi32, #tpu.memory_space<vmem>>
        %dma_start3A_78 = arith.constant 0 : i32
        %dma_start3A_79 = arith.constant 0 : i32
        %dma_start3A_80 = tpu.memref_slice %arg2[%arg0, %dma_start3A_78, %dma_start3A_79] : memref<2x10000x64xf32, #tpu.memory_space<hbm>> -> memref<1x10000x64xf32, #tpu.memory_space<hbm>>
        %dma_start3A_81 = tpu.memref_squeeze %dma_start3A_80 : memref<1x10000x64xf32, #tpu.memory_space<hbm>> -> memref<10000x64xf32, #tpu.memory_space<hbm>>
        %dma_start3A_82 = arith.constant 0 : i32
        %dma_start3A_83 = arith.constant 0 : i32
        %dma_start3A_84 = tpu.memref_slice %dma_start3A_81[%dma_start3A_82, %dma_start3A_83] : memref<10000x64xf32, #tpu.memory_space<hbm>> -> memref<10000x64xf32, #tpu.memory_space<hbm>>
        tpu.enqueue_indirect_dma source(%dma_start3A_84 : memref<10000x64xf32, #tpu.memory_space<hbm>>) target(%arg9 : memref<128x64xf32, #tpu.memory_space<vmem>>) offsets(%dma_start3A_77 : memref<128xi32, #tpu.memory_space<vmem>>) semaphore(%arg12 : memref<!tpu.dma_semaphore, #tpu.memory_space<semaphore_mem>>)
      } else {
      }
      %add3A_59 = arith.constant 1 : i32
      %add3A_60 = arith.addi %mul3A_33, %add3A_59 : i32
      %dma_wait3A_61 = arith.constant 0 : i32
      %dma_wait3A_62 = tpu.memref_slice %arg7[%add3A_60, %dma_wait3A_61] : memref<158x128xi32, #tpu.memory_space<vmem>> -> memref<1x128xi32, #tpu.memory_space<vmem>>
      %dma_wait3A_63 = tpu.memref_squeeze %dma_wait3A_62 : memref<1x128xi32, #tpu.memory_space<vmem>> -> memref<128xi32, #tpu.memory_space<vmem>>
      %dma_wait3A_64 = arith.constant 0 : i32
      %dma_wait3A_65 = arith.constant 0 : i32
      %dma_wait3A_66 = tpu.memref_slice %arg2[%arg0, %dma_wait3A_64, %dma_wait3A_65] : memref<2x10000x64xf32, #tpu.memory_space<hbm>> -> memref<1x10000x64xf32, #tpu.memory_space<hbm>>
      %dma_wait3A_67 = tpu.memref_squeeze %dma_wait3A_66 : memref<1x10000x64xf32, #tpu.memory_space<hbm>> -> memref<10000x64xf32, #tpu.memory_space<hbm>>
      %dma_wait3A_68 = arith.constant 0 : i32
      %dma_wait3A_69 = arith.constant 0 : i32
      %dma_wait3A_70 = tpu.memref_slice %dma_wait3A_67[%dma_wait3A_68, %dma_wait3A_69] : memref<10000x64xf32, #tpu.memory_space<hbm>> -> memref<10000x64xf32, #tpu.memory_space<hbm>>
      tpu.wait_indirect_dma semaphore(%arg13 : memref<!tpu.dma_semaphore, #tpu.memory_space<semaphore_mem>>) src(%dma_wait3A_70 : memref<10000x64xf32, #tpu.memory_space<hbm>>) dst(%arg10 : memref<128x64xf32, #tpu.memory_space<vmem>>)
      %add3A_71 = arith.constant 1 : i32
      %add3A_72 = arith.addi %mul3A_33, %add3A_71 : i32
      "tpu.region"() ({
        %run_scoped3A = tpu.sem_alloc : memref<!tpu.dma_semaphore, #tpu.memory_space<semaphore_mem>>
        %dma_start3A_73 = arith.constant 0 : i32
        %dma_start3A_74 = tpu.memref_slice %arg8[%add3A_72, %dma_start3A_73] : memref<158x128xi32, #tpu.memory_space<vmem>> -> memref<1x128xi32, #tpu.memory_space<vmem>>
        %dma_start3A_75 = tpu.memref_squeeze %dma_start3A_74 : memref<1x128xi32, #tpu.memory_space<vmem>> -> memref<128xi32, #tpu.memory_space<vmem>>
        %dma_start3A_76 = arith.constant 0 : i32
        %dma_start3A_77 = arith.constant 0 : i32
        %dma_start3A_78 = tpu.memref_slice %arg11[%dma_start3A_76, %dma_start3A_77] : memref<10008x64xf32, #tpu.memory_space<vmem_shared>> -> memref<10008x64xf32, #tpu.memory_space<vmem_shared>>
        tpu.enqueue_indirect_dma source(%arg10 : memref<128x64xf32, #tpu.memory_space<vmem>>) target(%dma_start3A_78 : memref<10008x64xf32, #tpu.memory_space<vmem_shared>>) offsets(%dma_start3A_75 : memref<128xi32, #tpu.memory_space<vmem>>) semaphore(%run_scoped3A : memref<!tpu.dma_semaphore, #tpu.memory_space<semaphore_mem>>) {add = true}
        %dma_wait3A_79 = arith.constant 0 : i32
        %dma_wait3A_80 = tpu.memref_slice %arg8[%add3A_72, %dma_wait3A_79] : memref<158x128xi32, #tpu.memory_space<vmem>> -> memref<1x128xi32, #tpu.memory_space<vmem>>
        %dma_wait3A_81 = tpu.memref_squeeze %dma_wait3A_80 : memref<1x128xi32, #tpu.memory_space<vmem>> -> memref<128xi32, #tpu.memory_space<vmem>>
        %dma_wait3A_82 = arith.constant 0 : i32
        %dma_wait3A_83 = arith.constant 0 : i32
        %dma_wait3A_84 = tpu.memref_slice %arg11[%dma_wait3A_82, %dma_wait3A_83] : memref<10008x64xf32, #tpu.memory_space<vmem_shared>> -> memref<10008x64xf32, #tpu.memory_space<vmem_shared>>
        tpu.wait_indirect_dma semaphore(%run_scoped3A : memref<!tpu.dma_semaphore, #tpu.memory_space<semaphore_mem>>) src(%arg10 : memref<128x64xf32, #tpu.memory_space<vmem>>) dst(%dma_wait3A_84 : memref<10008x64xf32, #tpu.memory_space<vmem_shared>>)
        tpu.yield
      }) : () -> ()
    }
    %scan3A_20 = arith.constant 79 : i32
    %barrier3A_21 = arith.constant 0 : index
    tpu.barrier barrier_id(%barrier3A_21)
    %lt3A_22 = arith.constant 15 : i32
    %lt3A_23 = arith.cmpi slt, %arg1, %lt3A_22 : i32
    %convert_element_type3A_24 = arith.extui %lt3A_23 : i1 to i32
    %cond3A_25 = arith.constant 0 : i32
    %cond3A_26 = arith.cmpi ne, %convert_element_type3A_24, %cond3A_25 : i32
    scf.if %cond3A_26 {
      %mul3A = arith.constant 632 : i32
      %mul3A_32 = arith.muli %arg1, %mul3A : i32
      %mul3A_33 = arith.constant 632 : i32
      %mul3A_34 = arith.muli %arg1, %mul3A_33 : i32
      "tpu.region"() ({
        %run_scoped3A = tpu.sem_alloc : memref<!tpu.dma_semaphore, #tpu.memory_space<semaphore_mem>>
        %dma_start3A_35 = arith.constant 0 : i32
        %dma_start3A_36 = tpu.memref_slice %arg6[%arg0, %mul3A_34, %dma_start3A_35] : memref<2x10000x64xf32, #tpu.memory_space<hbm>> -> memref<1x632x64xf32, #tpu.memory_space<hbm>>
        %dma_start3A_37 = tpu.memref_squeeze %dma_start3A_36 : memref<1x632x64xf32, #tpu.memory_space<hbm>> -> memref<632x64xf32, #tpu.memory_space<hbm>>
        %dma_start3A_38 = arith.constant 0 : i32
        %dma_start3A_39 = tpu.memref_slice %arg11[%mul3A_32, %dma_start3A_38] : memref<10008x64xf32, #tpu.memory_space<vmem_shared>> -> memref<632x64xf32, #tpu.memory_space<vmem_shared>>
        tpu.enqueue_dma source(%dma_start3A_39 : memref<632x64xf32, #tpu.memory_space<vmem_shared>>) target(%dma_start3A_37 : memref<632x64xf32, #tpu.memory_space<hbm>>) target_semaphore(%run_scoped3A : memref<!tpu.dma_semaphore, #tpu.memory_space<semaphore_mem>>)
        %dma_wait3A = arith.constant 0 : i32
        %dma_wait3A_40 = tpu.memref_slice %arg6[%arg0, %mul3A_34, %dma_wait3A] : memref<2x10000x64xf32, #tpu.memory_space<hbm>> -> memref<1x632x64xf32, #tpu.memory_space<hbm>>
        %dma_wait3A_41 = tpu.memref_squeeze %dma_wait3A_40 : memref<1x632x64xf32, #tpu.memory_space<hbm>> -> memref<632x64xf32, #tpu.memory_space<hbm>>
        %dma_wait3A_42 = arith.constant 0 : i32
        %dma_wait3A_43 = tpu.memref_slice %arg11[%mul3A_32, %dma_wait3A_42] : memref<10008x64xf32, #tpu.memory_space<vmem_shared>> -> memref<632x64xf32, #tpu.memory_space<vmem_shared>>
        tpu.wait_dma2 semaphore(%run_scoped3A : memref<!tpu.dma_semaphore, #tpu.memory_space<semaphore_mem>>) src(%dma_wait3A_43 : memref<632x64xf32, #tpu.memory_space<vmem_shared>>) dst(%dma_wait3A_41 : memref<632x64xf32, #tpu.memory_space<hbm>>)
        tpu.yield
      }) : () -> ()
    } else {
    }
    %eq3A_27 = arith.constant 15 : i32
    %eq3A_28 = arith.cmpi eq, %arg1, %eq3A_27 : i32
    %convert_element_type3A_29 = arith.extui %eq3A_28 : i1 to i32
    %cond3A_30 = arith.constant 0 : i32
    %cond3A_31 = arith.cmpi ne, %convert_element_type3A_29, %cond3A_30 : i32
    scf.if %cond3A_31 {
      "tpu.region"() ({
        %run_scoped3A = tpu.sem_alloc : memref<!tpu.dma_semaphore, #tpu.memory_space<semaphore_mem>>
        %dma_start3A_32 = arith.constant 9480 : i32
        %dma_start3A_33 = arith.constant 0 : i32
        %dma_start3A_34 = tpu.memref_slice %arg6[%arg0, %dma_start3A_32, %dma_start3A_33] : memref<2x10000x64xf32, #tpu.memory_space<hbm>> -> memref<1x520x64xf32, #tpu.memory_space<hbm>>
        %dma_start3A_35 = tpu.memref_squeeze %dma_start3A_34 : memref<1x520x64xf32, #tpu.memory_space<hbm>> -> memref<520x64xf32, #tpu.memory_space<hbm>>
        %dma_start3A_36 = arith.constant 9480 : i32
        %dma_start3A_37 = arith.constant 0 : i32
        %dma_start3A_38 = tpu.memref_slice %arg11[%dma_start3A_36, %dma_start3A_37] : memref<10008x64xf32, #tpu.memory_space<vmem_shared>> -> memref<520x64xf32, #tpu.memory_space<vmem_shared>>
        tpu.enqueue_dma source(%dma_start3A_38 : memref<520x64xf32, #tpu.memory_space<vmem_shared>>) target(%dma_start3A_35 : memref<520x64xf32, #tpu.memory_space<hbm>>) target_semaphore(%run_scoped3A : memref<!tpu.dma_semaphore, #tpu.memory_space<semaphore_mem>>)
        %dma_wait3A = arith.constant 9480 : i32
        %dma_wait3A_39 = arith.constant 0 : i32
        %dma_wait3A_40 = tpu.memref_slice %arg6[%arg0, %dma_wait3A, %dma_wait3A_39] : memref<2x10000x64xf32, #tpu.memory_space<hbm>> -> memref<1x520x64xf32, #tpu.memory_space<hbm>>
        %dma_wait3A_41 = tpu.memref_squeeze %dma_wait3A_40 : memref<1x520x64xf32, #tpu.memory_space<hbm>> -> memref<520x64xf32, #tpu.memory_space<hbm>>
        %dma_wait3A_42 = arith.constant 9480 : i32
        %dma_wait3A_43 = arith.constant 0 : i32
        %dma_wait3A_44 = tpu.memref_slice %arg11[%dma_wait3A_42, %dma_wait3A_43] : memref<10008x64xf32, #tpu.memory_space<vmem_shared>> -> memref<520x64xf32, #tpu.memory_space<vmem_shared>>
        tpu.wait_dma2 semaphore(%run_scoped3A : memref<!tpu.dma_semaphore, #tpu.memory_space<semaphore_mem>>) src(%dma_wait3A_44 : memref<520x64xf32, #tpu.memory_space<vmem_shared>>) dst(%dma_wait3A_41 : memref<520x64xf32, #tpu.memory_space<hbm>>)
        tpu.yield
      }) : () -> ()
    } else {
    }
    return
  }
}

module attributes {stable_mosaic.version = 14 : i64} {
  func.func @_mm_body(%arg0: i32, %arg1: memref<1000x128xf32, #tpu.memory_space<vmem>>, %arg2: memref<128x128xf32, #tpu.memory_space<vmem>>, %arg3: memref<2x1000x64xf32, #tpu.memory_space<vmem>>) attributes {dimension_semantics = [#tpu.dimension_semantics<arbitrary>], iteration_bounds = array<i64: 10>, scalar_prefetch = 0 : i64, scratch_operands = 0 : i64, tpu.core_type = #tpu.core_type<tc>, window_params = [{transform_indices = @transform_0, window_bounds = array<i64: 1000, 128>}, {pipeline_mode = #tpu.pipeline_mode<synchronous>, transform_indices = @transform_1, window_bounds = array<i64: 128, 128>}, {transform_indices = @transform_2, window_bounds = array<i64: 2, 1000, 64>}]} {
    %get3A = arith.constant 0 : index
    %get3A_0 = arith.constant 0 : index
    %get3A_1 = vector.load %arg1[%get3A, %get3A_0] : memref<1000x128xf32, #tpu.memory_space<vmem>>, vector<1000x128xf32>
    %get3A_2 = arith.constant 0 : index
    %get3A_3 = arith.constant 0 : index
    %get3A_4 = vector.load %arg2[%get3A_2, %get3A_3] : memref<128x128xf32, #tpu.memory_space<vmem>>, vector<128x128xf32>
    %dot_general3A = arith.constant dense<0.000000e+00> : vector<1000x128xf32>
    %dot_general3A_5 = tpu.matmul %get3A_1, %get3A_4, %dot_general3A {dimension_numbers = #tpu.dot_dimension_numbers<[1], [0], [0], [1], [0, 0, 1, 1], [], []>, transpose_lhs_hint = false} : vector<1000x128xf32>, vector<128x128xf32>, vector<1000x128xf32> -> vector<1000x128xf32>
    %slice3A = vector.extract_strided_slice %dot_general3A_5 {offsets = [0, 0], sizes = [1000, 64], strides = [1, 1]} : vector<1000x128xf32> to vector<1000x64xf32>
    %swap3A = arith.constant 0 : index
    %swap3A_6 = arith.constant 0 : index
    %swap3A_7 = arith.constant 0 : index
    %swap3A_8 = vector.load %arg3[%swap3A, %swap3A_6, %swap3A_7] : memref<2x1000x64xf32, #tpu.memory_space<vmem>>, vector<1x1000x64xf32>
    %swap3A_9 = vector.shape_cast %swap3A_8 : vector<1x1000x64xf32> to vector<1000x64xf32>
    %swap3A_10 = vector.shape_cast %slice3A : vector<1000x64xf32> to vector<1x1000x64xf32>
    tpu.vector_store %arg3[%swap3A, %swap3A_6, %swap3A_7], %swap3A_10 {strides = array<i32>} : memref<2x1000x64xf32, #tpu.memory_space<vmem>>, vector<1x1000x64xf32>,
    %slice3A_11 = vector.extract_strided_slice %dot_general3A_5 {offsets = [0, 64], sizes = [1000, 64], strides = [1, 1]} : vector<1000x128xf32> to vector<1000x64xf32>
    %swap3A_12 = arith.constant 1 : index
    %swap3A_13 = arith.constant 0 : index
    %swap3A_14 = arith.constant 0 : index
    %swap3A_15 = vector.load %arg3[%swap3A_12, %swap3A_13, %swap3A_14] : memref<2x1000x64xf32, #tpu.memory_space<vmem>>, vector<1x1000x64xf32>
    %swap3A_16 = vector.shape_cast %swap3A_15 : vector<1x1000x64xf32> to vector<1000x64xf32>
    %swap3A_17 = vector.shape_cast %slice3A_11 : vector<1000x64xf32> to vector<1x1000x64xf32>
    tpu.vector_store %arg3[%swap3A_12, %swap3A_13, %swap3A_14], %swap3A_17 {strides = array<i32>} : memref<2x1000x64xf32, #tpu.memory_space<vmem>>, vector<1x1000x64xf32>,
    return
  }
  func.func @transform_0(%arg0: i32) -> (i32, i32) {
    %c0_i32 = arith.constant 0 : i32
    %c0_i32_0 = arith.constant 0 : i32
    return %arg0, %c0_i32 : i32, i32
  }
  func.func @transform_1(%arg0: i32) -> (i32, i32) {
    %c0_i32 = arith.constant 0 : i32
    %c0_i32_0 = arith.constant 0 : i32
    %c0_i32_1 = arith.constant 0 : i32
    return %c0_i32, %c0_i32_0 : i32, i32
  }
  func.func @transform_2(%arg0: i32) -> (i32, i32, i32) {
    %c0_i32 = arith.constant 0 : i32
    %c0_i32_0 = arith.constant 0 : i32
    %c0_i32_1 = arith.constant 0 : i32
    return %c0_i32, %arg0, %c0_i32_0 : i32, i32, i32
  }
}

module attributes {stable_mosaic.version = 14 : i64} {
  func.func @_act_mm_body(%arg0: i32, %arg1: memref<2x1000x64xf32, #tpu.memory_space<vmem>>, %arg2: memref<1x128xf32, #tpu.memory_space<vmem>>, %arg3: memref<128x128xf32, #tpu.memory_space<vmem>>, %arg4: memref<2x1000x64xf32, #tpu.memory_space<vmem>>) attributes {dimension_semantics = [#tpu.dimension_semantics<arbitrary>], iteration_bounds = array<i64: 10>, scalar_prefetch = 0 : i64, scratch_operands = 0 : i64, tpu.core_type = #tpu.core_type<tc>, window_params = [{transform_indices = @transform_0, window_bounds = array<i64: 2, 1000, 64>}, {pipeline_mode = #tpu.pipeline_mode<synchronous>, transform_indices = @transform_1, window_bounds = array<i64: 1, 128>}, {pipeline_mode = #tpu.pipeline_mode<synchronous>, transform_indices = @transform_2, window_bounds = array<i64: 128, 128>}, {transform_indices = @transform_3, window_bounds = array<i64: 2, 1000, 64>}]} {
    %get3A = arith.constant 0 : index
    %get3A_0 = arith.constant 0 : index
    %get3A_1 = arith.constant 0 : index
    %get3A_2 = vector.load %arg1[%get3A, %get3A_0, %get3A_1] : memref<2x1000x64xf32, #tpu.memory_space<vmem>>, vector<1x1000x64xf32>
    %get3A_3 = vector.shape_cast %get3A_2 : vector<1x1000x64xf32> to vector<1000x64xf32>
    %get3A_4 = arith.constant 1 : index
    %get3A_5 = arith.constant 0 : index
    %get3A_6 = arith.constant 0 : index
    %get3A_7 = vector.load %arg1[%get3A_4, %get3A_5, %get3A_6] : memref<2x1000x64xf32, #tpu.memory_space<vmem>>, vector<1x1000x64xf32>
    %get3A_8 = vector.shape_cast %get3A_7 : vector<1x1000x64xf32> to vector<1000x64xf32>
    %concatenate3A = tpu.concatenate %get3A_3, %get3A_8 in 1 : vector<1000x64xf32>, vector<1000x64xf32> -> vector<1000x128xf32>
    %get3A_9 = arith.constant 0 : index
    %get3A_10 = arith.constant 0 : index
    %get3A_11 = vector.load %arg2[%get3A_9, %get3A_10] : memref<1x128xf32, #tpu.memory_space<vmem>>, vector<1x128xf32>
    %add3A = vector.broadcast %get3A_11 : vector<1x128xf32> to vector<1000x128xf32>
    %add3A_12 = arith.addf %concatenate3A, %add3A : vector<1000x128xf32>
    %max3A = arith.constant 0.000000e+00 : f32
    %max3A_13 = vector.broadcast %max3A : f32 to vector<1000x128xf32>
    %max3A_14 = arith.maximumf %add3A_12, %max3A_13 : vector<1000x128xf32>
    %get3A_15 = arith.constant 0 : index
    %get3A_16 = arith.constant 0 : index
    %get3A_17 = vector.load %arg3[%get3A_15, %get3A_16] : memref<128x128xf32, #tpu.memory_space<vmem>>, vector<128x128xf32>
    %dot_general3A = arith.constant dense<0.000000e+00> : vector<1000x128xf32>
    %dot_general3A_18 = tpu.matmul %max3A_14, %get3A_17, %dot_general3A {dimension_numbers = #tpu.dot_dimension_numbers<[1], [0], [0], [1], [0, 0, 1, 1], [], []>, transpose_lhs_hint = false} : vector<1000x128xf32>, vector<128x128xf32>, vector<1000x128xf32> -> vector<1000x128xf32>
    %slice3A = vector.extract_strided_slice %dot_general3A_18 {offsets = [0, 0], sizes = [1000, 64], strides = [1, 1]} : vector<1000x128xf32> to vector<1000x64xf32>
    %swap3A = arith.constant 0 : index
    %swap3A_19 = arith.constant 0 : index
    %swap3A_20 = arith.constant 0 : index
    %swap3A_21 = vector.load %arg4[%swap3A, %swap3A_19, %swap3A_20] : memref<2x1000x64xf32, #tpu.memory_space<vmem>>, vector<1x1000x64xf32>
    %swap3A_22 = vector.shape_cast %swap3A_21 : vector<1x1000x64xf32> to vector<1000x64xf32>
    %swap3A_23 = vector.shape_cast %slice3A : vector<1000x64xf32> to vector<1x1000x64xf32>
    tpu.vector_store %arg4[%swap3A, %swap3A_19, %swap3A_20], %swap3A_23 {strides = array<i32>} : memref<2x1000x64xf32, #tpu.memory_space<vmem>>, vector<1x1000x64xf32>,
    %slice3A_24 = vector.extract_strided_slice %dot_general3A_18 {offsets = [0, 64], sizes = [1000, 64], strides = [1, 1]} : vector<1000x128xf32> to vector<1000x64xf32>
    %swap3A_25 = arith.constant 1 : index
    %swap3A_26 = arith.constant 0 : index
    %swap3A_27 = arith.constant 0 : index
    %swap3A_28 = vector.load %arg4[%swap3A_25, %swap3A_26, %swap3A_27] : memref<2x1000x64xf32, #tpu.memory_space<vmem>>, vector<1x1000x64xf32>
    %swap3A_29 = vector.shape_cast %swap3A_28 : vector<1x1000x64xf32> to vector<1000x64xf32>
    %swap3A_30 = vector.shape_cast %slice3A_24 : vector<1000x64xf32> to vector<1x1000x64xf32>
    tpu.vector_store %arg4[%swap3A_25, %swap3A_26, %swap3A_27], %swap3A_30 {strides = array<i32>} : memref<2x1000x64xf32, #tpu.memory_space<vmem>>, vector<1x1000x64xf32>,
    return
  }
  func.func @transform_0(%arg0: i32) -> (i32, i32, i32) {
    %c0_i32 = arith.constant 0 : i32
    %c0_i32_0 = arith.constant 0 : i32
    %c0_i32_1 = arith.constant 0 : i32
    return %c0_i32, %arg0, %c0_i32_0 : i32, i32, i32
  }
  func.func @transform_1(%arg0: i32) -> (i32, i32) {
    %c0_i32 = arith.constant 0 : i32
    %c0_i32_0 = arith.constant 0 : i32
    %c0_i32_1 = arith.constant 0 : i32
    return %c0_i32, %c0_i32_0 : i32, i32
  }
  func.func @transform_2(%arg0: i32) -> (i32, i32) {
    %c0_i32 = arith.constant 0 : i32
    %c0_i32_0 = arith.constant 0 : i32
    %c0_i32_1 = arith.constant 0 : i32
    return %c0_i32, %c0_i32_0 : i32, i32
  }
  func.func @transform_3(%arg0: i32) -> (i32, i32, i32) {
    %c0_i32 = arith.constant 0 : i32
    %c0_i32_0 = arith.constant 0 : i32
    %c0_i32_1 = arith.constant 0 : i32
    return %c0_i32, %arg0, %c0_i32_0 : i32, i32, i32
  }
}

module attributes {stable_mosaic.version = 14 : i64} {
  func.func @_sig_body(%arg0: i32, %arg1: memref<2x1000x64xf32, #tpu.memory_space<vmem>>, %arg2: memref<1x128xf32, #tpu.memory_space<vmem>>, %arg3: memref<1000x128xf32, #tpu.memory_space<vmem>>) attributes {dimension_semantics = [#tpu.dimension_semantics<arbitrary>], iteration_bounds = array<i64: 10>, scalar_prefetch = 0 : i64, scratch_operands = 0 : i64, tpu.core_type = #tpu.core_type<tc>, window_params = [{transform_indices = @transform_0, window_bounds = array<i64: 2, 1000, 64>}, {pipeline_mode = #tpu.pipeline_mode<synchronous>, transform_indices = @transform_1, window_bounds = array<i64: 1, 128>}, {transform_indices = @transform_2, window_bounds = array<i64: 1000, 128>}]} {
    %get3A = arith.constant 0 : index
    %get3A_0 = arith.constant 0 : index
    %get3A_1 = arith.constant 0 : index
    %get3A_2 = vector.load %arg1[%get3A, %get3A_0, %get3A_1] : memref<2x1000x64xf32, #tpu.memory_space<vmem>>, vector<1x1000x64xf32>
    %get3A_3 = vector.shape_cast %get3A_2 : vector<1x1000x64xf32> to vector<1000x64xf32>
    %get3A_4 = arith.constant 1 : index
    %get3A_5 = arith.constant 0 : index
    %get3A_6 = arith.constant 0 : index
    %get3A_7 = vector.load %arg1[%get3A_4, %get3A_5, %get3A_6] : memref<2x1000x64xf32, #tpu.memory_space<vmem>>, vector<1x1000x64xf32>
    %get3A_8 = vector.shape_cast %get3A_7 : vector<1x1000x64xf32> to vector<1000x64xf32>
    %concatenate3A = tpu.concatenate %get3A_3, %get3A_8 in 1 : vector<1000x64xf32>, vector<1000x64xf32> -> vector<1000x128xf32>
    %get3A_9 = arith.constant 0 : index
    %get3A_10 = arith.constant 0 : index
    %get3A_11 = vector.load %arg2[%get3A_9, %get3A_10] : memref<1x128xf32, #tpu.memory_space<vmem>>, vector<1x128xf32>
    %add3A = vector.broadcast %get3A_11 : vector<1x128xf32> to vector<1000x128xf32>
    %add3A_12 = arith.addf %concatenate3A, %add3A : vector<1000x128xf32>
    %logistic3A = arith.negf %add3A_12 : vector<1000x128xf32>
    %logistic3A_13 = math.exp %logistic3A : vector<1000x128xf32>
    %logistic3A_14 = arith.constant 1.000000e+00 : f32
    %logistic3A_15 = vector.broadcast %logistic3A_14 : f32 to vector<1000x128xf32>
    %logistic3A_16 = arith.addf %logistic3A_15, %logistic3A_13 : vector<1000x128xf32>
    %logistic3A_17 = arith.divf %logistic3A_15, %logistic3A_16 : vector<1000x128xf32>
    %swap3A = arith.constant 0 : index
    %swap3A_18 = arith.constant 0 : index
    %swap3A_19 = vector.load %arg3[%swap3A, %swap3A_18] : memref<1000x128xf32, #tpu.memory_space<vmem>>, vector<1000x128xf32>
    tpu.vector_store %arg3[%swap3A, %swap3A_18], %logistic3A_17 {strides = array<i32>} : memref<1000x128xf32, #tpu.memory_space<vmem>>, vector<1000x128xf32>,
    return
  }
  func.func @transform_0(%arg0: i32) -> (i32, i32, i32) {
    %c0_i32 = arith.constant 0 : i32
    %c0_i32_0 = arith.constant 0 : i32
    %c0_i32_1 = arith.constant 0 : i32
    return %c0_i32, %arg0, %c0_i32_0 : i32, i32, i32
  }
  func.func @transform_1(%arg0: i32) -> (i32, i32) {
    %c0_i32 = arith.constant 0 : i32
    %c0_i32_0 = arith.constant 0 : i32
    %c0_i32_1 = arith.constant 0 : i32
    return %c0_i32, %c0_i32_0 : i32, i32
  }
  func.func @transform_2(%arg0: i32) -> (i32, i32) {
    %c0_i32 = arith.constant 0 : i32
    %c0_i32_0 = arith.constant 0 : i32
    return %arg0, %c0_i32 : i32, i32
  }
}

</mosaic_0001>

<sc_bundles>
// kernel: kernel.12.cloned.1.call-start
scs
__scs_entry_jumppad:
0x0: {  	(pc) =	sbr.rel $0x88, $3  }
0x1: {  	(tag) =	ssettag $0x0;
	lr =	simm.s32 $0x1  }
0x2: {  	[smem:$0x3F99] =	sst lr;
	_ =	strace $0xD0000000  }
0x3: {  	_ = 	snop  }
0x4: {  	_ = 	snop  }
0x5: {  	_ = 	snop  }
0x6: {  	_ = 	snop  }
0x7: {  	_ = 	snop  }
__scs_overlays_trampoline_lowered:
0x8: {  	[smem:$0x3FA8] =	sst s0  }
0x9: {  	[smem:$0x3FA9] =	sst s1  }
0xa: {  	[smem:$0x3FAA] =	sst s2  }
0xb: {  	[smem:$0x3FAB] =	sst s3  }
0xc: {  	[smem:$0x3FAC] =	sst s4  }
0xd: {  	[smem:$0x3FAD] =	sst s5  }
0xe: {  	[smem:$0x3FAE] =	sst s6  }
0xf: {  	[smem:$0x3FAF] =	sst s7  }
0x10: {  	[smem:$0x3FB0] =	sst s8  }
0x11: {  	[smem:$0x3FB1] =	sst s9;
	s0 =	simm.s32 @!p0 $0x0  }
0x12: {  	s1 =	sld [smem:$0x3F97];
	s0 =	simm.s32 @p0 $0x1  }
0x13: {  	[smem:$0x3FB2] =	sst s0;
	s0 =	simm.s32 @!p1 $0x0  }
0x14: {  	s2 =	sld [smem:$0x3F96];
	s0 =	simm.s32 @p1 $0x1  }
0x15: {  	[smem:$0x3FB3] =	sst s0;
	s0 =	simm.s32 @!p2 $0x0  }
0x16: {  	s3 =	sld [smem:$0x3FDB];
	s0 =	simm.s32 @p2 $0x1  }
0x17: {  	s4 =	simm.s32 $0x1BF5;
	[smem:$0x3FB5] =	sst s0  }
0x18: {  	s0 =	sld [smem:$0x3F98];
	_ =	swait.ge [sflag:s4], $0x0  }
0x19: {  	s7 =	sld [smem:$0x3F99]  }
0x1a: {  	s8 =	sadd.s32 $0xFFFFE003, lr  }
0x1b: {  	s9 =	sadd.s32 $0xFFFFFEF7, lr;
	s5 =	simm.s32 $0xFFFFFFFF;
	p2 =	slt.u32 s8, $0xFFFFF086  }
0x1c: {  	p1 =	slt.u32 s9, $0xF7A;
	s5 =	simm.s32 @!p2 $0x0  }
0x1d: {  	s5 =	simm.s32 @p1 $0x1;
	p0 =	seq.s32 s7, s2  }
0x1e: {  	s7 =	smul.u32 @!p0 $0xF7A, s2;
	p2 =	seq.s32 @!p0 s5, $0x0  }
0x1f: {  	s9 =	smul.u32 $0xF7A, s1;
	s8 =	simm.s32 @!p0 $0x1BF5;
	p2 =	por !p2, p0  }
0x20: {  	[sflag:s8] =	ssyncset.s32 @!p0 $0xFFFFF086;
	s6 =	sadd.s32 @!p0 s3, s7;
	s7 =	simm.s32 @!p0 $0x108  }
0x21: {  	s3 =	sadd.s32 s3, s9;
	s6 =	sadd.s32 @!p0 $0x88, s6;
	s7 =	simm.s32 @p2 $0x1082  }
0x22: {  	[simem:s7], [sflag:s8] =	dma.local @!p0 [hbm:s6], $0xF7A  }
0x23: {  	s9 =	sor.u32 $0xD0000000, s2;
	s6 =	simm.s32 $0x108;
	_ =	swait.ge @!p0 [sflag:s8], $0x0  }
0x24: {  	s3 =	sadd.s32 $0x88, s3;
	s6 =	simm.s32 @!p1 $0x1082;
	[sflag:s4] =	ssyncset.s32 $0xFFFFF086  }
0x25: {  	[simem:s6], [sflag:s4] =	dma.local [hbm:s3], $0xF7A  }
0x26: {  	[smem:$0x3F99] =	sst s1;
	(tag) =	ssettag s2;
	_ =	strace s9  }
0x27: {  	s1 =	sld [smem:$0x3FA9]  }
0x28: {  	s2 =	sld [smem:$0x3FAA]  }
0x29: {  	s4 =	sld [smem:$0x3FAC]  }
0x2a: {  	p0 =	seq.s32 s5, $0x0;
	s5 =	sld [smem:$0x3FAD]  }
0x2b: {  	s6 =	sld [smem:$0x3FAE]  }
0x2c: {  	s7 =	sld [smem:$0x3FAF]  }
0x2d: {  	s3 =	simm.s32 $0x108;
	s8 =	sld [smem:$0x3FB0]  }
0x2e: {  	s3 =	simm.s32 @!p0 $0x1082;
	s9 =	sld [smem:$0x3FB1]  }
0x2f: {  	lr =	sadd.s32 s0, s3;
	s0 =	sld [smem:$0x3FA8]  }
0x30: {  	s3 =	sld [smem:$0x3FAB]  }
0x31: {  	[smem:$0x3FB4] =	sst s10  }
0x32: {  	s10 =	sld [smem:$0x3FB2];
	_ =	sdelay $0x3  }
0x33: {  	p0 =	seq.s32 s10, $0x1;
	s10 =	sld [smem:$0x3FB4];
	_ =	sdelay $0x3  }
0x34: {  	[smem:$0x3FB4] =	sst s10  }
0x35: {  	s10 =	sld [smem:$0x3FB3];
	_ =	sdelay $0x3  }
0x36: {  	p1 =	seq.s32 s10, $0x1;
	s10 =	sld [smem:$0x3FB4];
	_ =	sdelay $0x3  }
0x37: {  	[smem:$0x3FB4] =	sst s10  }
0x38: {  	s10 =	sld [smem:$0x3FB5]  }
0x39: {  	_ = 	snop;
	(pc) =	sbr.ind lr, $3  }
0x3a: {  	_ = 	snop  }
0x3b: {  	_ = 	snop  }
0x3c: {  	p2 =	seq.s32 s10, $0x1;
	s10 =	sld [smem:$0x3FB4]  }
0x3d: {  	_ =	shalt  }
0x3e: {  	_ =	shalt  }
0x3f: {  	_ =	shalt  }
0x40: {  	_ =	shalt  }
0x41: {  	_ =	shalt  }
0x42: {  	_ =	shalt  }
0x43: {  	_ =	shalt  }
0x44: {  	_ =	shalt  }
0x45: {  	_ =	shalt  }
0x46: {  	_ =	shalt  }
0x47: {  	_ =	shalt  }
0x48: {  	_ =	shalt  }
0x49: {  	_ =	shalt  }
0x4a: {  	_ =	shalt  }
0x4b: {  	_ =	shalt  }
0x4c: {  	_ =	shalt  }
0x4d: {  	_ =	shalt  }
0x4e: {  	_ =	shalt  }
0x4f: {  	_ =	shalt  }
0x50: {  	_ =	shalt  }
0x51: {  	_ =	shalt  }
0x52: {  	_ =	shalt  }
0x53: {  	_ =	shalt  }
0x54: {  	_ =	shalt  }
0x55: {  	_ =	shalt  }
0x56: {  	_ =	shalt  }
0x57: {  	_ =	shalt  }
0x58: {  	_ =	shalt  }
0x59: {  	_ =	shalt  }
0x5a: {  	_ =	shalt  }
0x5b: {  	_ =	shalt  }
0x5c: {  	_ =	shalt  }
0x5d: {  	_ =	shalt  }
0x5e: {  	_ =	shalt  }
0x5f: {  	_ =	shalt  }
0x60: {  	_ =	shalt  }
0x61: {  	_ =	shalt  }
0x62: {  	_ =	shalt  }
0x63: {  	_ =	shalt  }
0x64: {  	_ =	shalt  }
0x65: {  	_ =	shalt  }
0x66: {  	_ =	shalt  }
0x67: {  	_ =	shalt  }
0x68: {  	_ =	shalt  }
0x69: {  	_ =	shalt  }
0x6a: {  	_ =	shalt  }
0x6b: {  	_ =	shalt  }
0x6c: {  	_ =	shalt  }
0x6d: {  	_ =	shalt  }
0x6e: {  	_ =	shalt  }
0x6f: {  	_ =	shalt  }
0x70: {  	_ =	shalt  }
0x71: {  	_ =	shalt  }
0x72: {  	_ =	shalt  }
0x73: {  	_ =	shalt  }
0x74: {  	_ =	shalt  }
0x75: {  	_ =	shalt  }
0x76: {  	_ =	shalt  }
0x77: {  	_ =	shalt  }
0x78: {  	_ =	shalt  }
0x79: {  	_ =	shalt  }
0x7a: {  	_ =	shalt  }
0x7b: {  	_ =	shalt  }
0x7c: {  	_ =	shalt  }
0x7d: {  	_ =	shalt  }
0x7e: {  	_ =	shalt  }
0x7f: {  	_ =	shalt  }
0x80: {  	_ =	shalt  }
0x81: {  	_ =	shalt  }
0x82: {  	_ =	shalt  }
0x83: {  	_ =	shalt  }
0x84: {  	_ =	shalt  }
0x85: {  	_ =	shalt  }
0x86: {  	_ =	shalt  }
0x87: {  	_ =	shalt  }
.Lfunc_end0:
.L_simem_size_0:
called_computation.1_lowered:
.L_overlay_start_0:
0x88: {  	s2 =	sld [smem:$0x3FD9]  }
0x89: {  	s3 =	sld [smem:$0x3FFE];
	_ =	sdelay $0x1  }
0x8a: {  	s1 =	srdreg.scid  }
0x8b: {  	s0 =	sand.u32 $0x1, s1  }
0x8c: {  	s17 =	sshll.u32 s0, $0xA;
	s2 =	sadd.s32 s3, s2  }
0x8d: {  	s2 =	sadd.s32 s2, s17  }
0x8e: {  	[smem:$0x3FC0] =	sst s2  }
0x8f: {  	_ = 	snop  }
0x90: {  	s2 =	sld [smem:$0x3FD0];
	(tm) =	ssettm $0x1  }
0x91: {  	s18 =	sld [smem:$0x3FFB];
	_ =	sdelay $0x3  }
0x92: {  	_ =	strace s18  }
0x93: {  	s3 =	sld [smem:$0x3FFC];
	_ =	sdelay $0x3  }
0x94: {  	_ =	strace s3  }
0x95: {  	s3 =	sld [smem:$0x3FFD];
	_ =	sdelay $0x3  }
0x96: {  	_ =	strace s3  }
0x97: {  	_ =	strace $0x8FFFFFFF  }
0x98: {  	s19 =	sld [smem:$0x3FDB];
	_ =	sdelay $0x1  }
0x99: {  	s4 =	simm.s32 $_scs_section_size  }
0x9a: {  	s5 =	simm.s32 $_size__tile_overlayer_lowered;
	s6 =	simm.s32 $_tile_overlayer_lowered  }
0x9b: {  	s22 =	simm.s32 $0x1BFF;
	s21 =	sshll.u32 s6, $0x1;
	s3 =	sadd.s32 s4, s19  }
0x9c: {  	s7 =	simm.s32 $0x0;
	s20 =	sshll.u32 s5, $0x1;
	s5 =	sadd.s32 s21, s3  }
0x9d: {  	[timem:s7], [sflag:s22] =	dma.local [hbm:s5], s20  }
0x9e: {  	_ =	swait.ge [sflag:s22], s20  }
0x9f: {  	s4 =	ssub.s32 $0x0, s20;
	[sflag:s22] =	ssyncset.done $0x0  }
0xa0: {  	[sflag:s22] =	ssyncadd.s32 s4;
	_ =	sdelay $0x1  }
0xa1: {  	s23 =	simm.s32 $0x1B8B  }
0xa2: {  	_ =	swait.ge [sflag:s23], $0x1  }
0xa3: {  	[sflag:s23] =	ssyncset.done $0x0  }
0xa4: {  	s25 =	simm.s32 $0x1B8E;
	s24 =	sld [smem:$0x3FFE];
	[sflag:s23] =	ssyncadd.s32 $0xFFFFFFFF  }
0xa5: {  	s26 =	simm.s32 $execute0_lowered;
	[smem:$0x3FD2] =	sst s25  }
0xa6: {  	s5 =	sshll.u32 s26, $0x1;
	_ =	strace $0x80000049;
	[dreg:$0x1] =	wrdreg $0xFFFFFFFF  }
0xa7: {  	s28 =	simm.s32 $_size_execute0_lowered;
	s3 =	sadd.s32 s3, s5;
	[dreg:$0x0] =	wrdreg $0x0  }
0xa8: {  	s5 =	sshll.u32 s28, $0x1;
	[dreg:$0x2] =	wrdreg s3  }
0xa9: {  	[dreg:$0x3] =	wrdreg s5  }
0xaa: {  	[dreg:$0x4] =	wrdreg $0xC0  }
0xab: {  	_ =	task [dreg:s7], $0x5FFFF  }
0xac: {  	[dreg:$0x1] =	wrdreg $0xFFFFFFFF  }
0xad: {  	[dreg:$0x0] =	wrdreg $0x60  }
0xae: {  	[dreg:$0x2] =	wrdreg s2  }
0xaf: {  	[dreg:$0x3] =	wrdreg s24  }
0xb0: {  	[dreg:$0x4] =	wrdreg $0xDE000  }
0xb1: {  	[dreg:$0x5] =	wrdreg $0x9  }
0xb2: {  	_ =	task.clear_ibuf [dreg:s7], $0x6FFFF;
	_ =	strace $0x90000049  }
0xb3: {  	s29 =	simm.s32 $0x9;
	_ =	strace $0x8000004B  }
0xb4: {  	_ =	swait.ge [sflag:s29], $0x1  }
0xb5: {  	[sflag:s29] =	ssyncadd.s32 $0xFFFFFFFF  }
0xb6: {  	_ =	strace $0x9000004B  }
0xb7: {  	_ =	sfence  }
0xb8: {  	s30 =	sld [smem:$0x0];
	_ =	sdelay $0x2  }
0xb9: {  	s31 =	sshll.u32 s1, $0xD;
	s1 =	sshrl.u32 s1, $0x2  }
0xba: {  	s3 =	sand.u32 $0x4000, s31;
	s1 =	sadd.s32 s1, s30  }
0xbb: {  	s0 =	sor.u32 s3, s0;
	s1 =	sshll.u32 s1, $0x11  }
0xbc: {  	s0 =	sor.u32 s1, s0  }
0xbd: {  	s0 =	sadd.s32 $0x8F2B, s0  }
0xbe: {  	[sflag:s0] =	ssyncadd.remote.s32 $0x1  }
0xbf: {  	_ =	sfence.sel $0xFFFF  }
0xc0: {  	[dreg:$0x0] =	wrdreg $0xFFFFFFFF;
	(pc) =	sbr.abs _section_cstart, $3  }
0xc1: {  	[dreg:$0x1] =	wrdreg $0xFFFFFFFF  }
0xc2: {  	_ =	task.clear_ibuf [dreg:s7], $0x2FFFF;
	_ =	strace $0x9FFFFFFF  }
0xc3: {  	(tm) =	ssettm $0x7FFFFFFF  }
tec
execute0_lowered:
.L_overlay_start_1:
0x0: {  	(tag) =	ssettag $0x1  }
0x1: {  	s7 =	rddreg [dreg:$0x0]  }
0x2: {  	s5 =	rddreg [dreg:$0x1]  }
0x3: {  	s2 =	rddreg [dreg:$0x2]  }
0x4: {  	s1 =	stileid.u32;
	s0 =	rddreg [dreg:$0x3];
	s3 =	simm.s32 $0x0  }
0x5: {  	s6 =	srdreg.scid;
	s16 =	simm.s32 $0x80;
	s17 =	simm.s32 $0x9E00  }
0x6: {  	s18 =	simm.s32 $0xBE00;
	s19 =	simm.s32 $0x1;
	s20 =	simm.s32 $0x2  }
0x7: {  	s21 =	simm.s32 $0x4E80;
	s22 =	simm.s32 $0x9D00;
	s4 =	smul.u32 $0x9E0, s1  }
0x8: {  	s23 =	simm.s32 $0x9D80;
	[smem:$0x7FF] =	sst s3;
	s10 =	smul.u32 $0x27800, s1  }
0x9: {  	s6 =	sand.u32 $0x1, s6;
	s11 =	sadd.s32 $0x16200, s5;
	s28 =	smul.u32 $0x9E00, s1  }
0xa: {  	s14 =	sadd.s32 $0x94200, s2;
	p0 =	seq.s32 s1, $0xF;
	_ =	strace $0x8000004A  }
0xb: {  	s9 =	ssub.s32 $0x2, s6;
	s12 =	smul.u32 $0x9C400, s6;
	s8 =	sadd.s32 s4, s5  }
0xc: {  	s4 =	sadd.s32 $0x14E00, s5;
	s25 =	sshrl.u32 s9, $0x1;
	s26 =	sshrl.u32 s10, $0x2  }
0xd: {  	s24 =	sadd.s32 s28, s2;
	s13 =	ssub.s32 s9, s25;
	s5 =	sadd.s32 $0xB000, s8  }
0xe: {  	s6 =	sadd.s32 $0x1200, s8;
	s15 =	sadd.s32 s26, s2;
	s29 =	sshrl.u32 s12, $0x3  }
0xf: {  	s30 =	sadd.s32 s28, s12;
	s12 =	simm.s32 $0x4F00;
	s24 =	sshrl.u32 @!p0 s24, $0x3  }
0x10: {  	s25 =	simm.s32 $0x0;
	s7 =	sadd.s32 s7, s29;
	s9 =	sshrl.u32 s30, $0x3  }
0x11: {  	s31 =	sadd.s32 s11, s29;
	s10 =	smax.u32 s13, $0x1;
	s13 =	sshrl.u32 @p0 s14, $0x3  }
0x12: {  	s14 =	sshll.u32 @!p0 s1, $0x6;
	s15 =	sshrl.u32 @!p0 s15, $0x3;
	s8 =	sadd.s32 s11, s9  }
0x13: {  	s9 =	sadd.s32 $0x12840, s31;
	s11 =	simm.s32 $0x3;
	s14 =	sor.u32 @!p0 $0x1C03, s14  }
.LBB2_1:
0x14: {  	[tilespmem:s3], [sflag:$0x3] =	stream.linear.gather [hbm4b:s5+s3], $0x4F00, $0x38;
	[tilespmem:$0x17A60] =	vst v63  }
0x15: {  	_ =	swait.ge [sflag:s11], $0x4F00  }
0x16: {  	[sflag:s11] =	ssyncset.done $0x0  }
0x17: {  	[sflag:s11] =	ssyncadd.s32 $0xFFFFB100  }
0x18: {  	[tilespmem:s12], [sflag:$0x3] =	stream.linear.gather [hbm4b:s6+s3], $0x4F00, $0x38;
	[tilespmem:$0x17A60] =	vst v63  }
0x19: {  	_ =	swait.ge [sflag:s11], $0x4F00  }
0x1a: {  	[sflag:s11] =	ssyncset.done $0x0  }
0x1b: {  	s26 =	simm.s32 @p0 $0x1FC3;
	[sflag:s11] =	ssyncadd.s32 $0xFFFFB100  }
0x1c: {  	[spmem:s13], [sflag:s26] =	dma.local @p0 [hbm:s4], $0x1080  }
0x1d: {  	s26 =	simm.s32 @p0 $0x3  }
0x1e: {  	_ =	swait.ge @p0 [sflag:s26], $0x1080  }
0x1f: {  	[sflag:s26] =	ssyncset.done @p0 $0x0  }
0x20: {  	[sflag:s26] =	ssyncadd.s32 @p0 $0xFFFFEF80;
	s26 =	simm.s32 @!p0 $0x3  }
0x21: {  	[spmem:s15], [sflag:s14] =	dma.local @!p0 [hbm:s4], $0x13C0  }
0x22: {  	_ =	swait.ge @!p0 [sflag:s26], $0x13C0  }
0x23: {  	[sflag:s26] =	ssyncset.done @!p0 $0x0  }
0x24: {  	[sflag:s26] =	ssyncadd.s32 @!p0 $0xFFFFEC40  }
0x25: {  	[bflag:$0x0] =	sbarrier.arrive $0xFFFF  }
0x26: {  	[tilespmem:s17], [sflag:$0x1] =	stream.indirect.gather [hbm4b:s7+s16], $0x40, s3, s16, $0xb8;
	[tilespmem:$0x17A60] =	vst v63  }
0x27: {  	s31 =	simm.s32 $0x80  }
0x28: {  	[tilespmem:s18], [sflag:$0x2] =	stream.indirect.gather [hbm4b:s7+s16], $0x40, s31, s16, $0xb8;
	[tilespmem:$0x17A60] =	vst v63  }
0x29: {  	_ =	swait.ge [sflag:s19], $0x2000  }
0x2a: {  	[sflag:s19] =	ssyncset.done $0x0  }
0x2b: {  	s29 =	simm.s32 $0x4F00;
	[sflag:s19] =	ssyncadd.s32 $0xFFFFE000  }
0x2c: {  	[spmem:s2] =	stream.indirect.scatter.add.f32 [tilespmem:s17], [sflag:$0x3], $0x40, s29, s16, $0xb8;
	[tilespmem:$0x17A60] =	vst v63  }
0x2d: {  	_ =	swait.ge [sflag:s11], $0x2000  }
0x2e: {  	[sflag:s11] =	ssyncset.done $0x0  }
0x2f: {  	s30 =	simm.s32 $0x100;
	[sflag:s11] =	ssyncadd.s32 $0xFFFFE000  }
0x30: {  	[tilespmem:s17], [sflag:$0x1] =	stream.indirect.gather [hbm4b:s7+s16], $0x40, s30, s16, $0xb8;
	[tilespmem:$0x17A60] =	vst v63  }
0x31: {  	_ =	swait.ge [sflag:s20], $0x2000  }
0x32: {  	[sflag:s20] =	ssyncset.done $0x0  }
0x33: {  	s31 =	simm.s32 $0x4F80;
	[sflag:s20] =	ssyncadd.s32 $0xFFFFE000  }
0x34: {  	[spmem:s2] =	stream.indirect.scatter.add.f32 [tilespmem:s18], [sflag:$0x3], $0x40, s31, s16, $0xb8;
	[tilespmem:$0x17A60] =	vst v63  }
0x35: {  	_ =	swait.ge [sflag:s11], $0x2000  }
0x36: {  	s28 =	simm.s32 $0x800;
	s26 =	simm.s32 $0x100;
	[sflag:s11] =	ssyncset.done $0x0  }
.LBB2_2:
0x37: {  	s29 =	sadd.s32 $0x80, s26  }
0x38: {  	[sflag:s11] =	ssyncadd.s32 $0xFFFFE000;
	s30 =	smov.u32 s28;
	s31 =	sadd.s32 $0x400, s28  }
0x39: {  	[tilespmem:s18], [sflag:$0x2] =	stream.indirect.gather [hbm4b:s7+s16], $0x40, s29, s16, $0xb8;
	[tilespmem:$0x17A60] =	vst v63  }
0x3a: {  	p1 =	sne.s32 s28, $0x13400;
	_ =	swait.ge [sflag:s19], $0x2000  }
0x3b: {  	[sflag:s19] =	ssyncset.done $0x0  }
0x3c: {  	s28 =	sadd.s32 $0x4F00, s26;
	[sflag:s19] =	ssyncadd.s32 $0xFFFFE000  }
0x3d: {  	[spmem:s2] =	stream.indirect.scatter.add.f32 [tilespmem:s17], [sflag:$0x3], $0x40, s28, s16, $0xb8;
	[tilespmem:$0x17A60] =	vst v63  }
0x3e: {  	_ =	swait.ge [sflag:s11], $0x2000  }
0x3f: {  	[sflag:s11] =	ssyncset.done $0x0  }
0x40: {  	s28 =	sadd.s32 $0x100, s26;
	[sflag:s11] =	ssyncadd.s32 $0xFFFFE000  }
0x41: {  	[tilespmem:s17], [sflag:$0x1] =	stream.indirect.gather [hbm4b:s7+s16], $0x40, s28, s16, $0xb8;
	[tilespmem:$0x17A60] =	vst v63  }
0x42: {  	_ =	swait.ge [sflag:s20], $0x2000  }
.Ltmp0:
0x43: {  	[sflag:s20] =	ssyncset.done $0x0;
	(pc) =	sbr.rel @p1 .LBB2_2-.Ltmp0, $4  }
0x44: {  	s26 =	sadd.s32 $0x4F80, s26;
	[sflag:s20] =	ssyncadd.s32 $0xFFFFE000  }
0x45: {  	[spmem:s2] =	stream.indirect.scatter.add.f32 [tilespmem:s18], [sflag:$0x3], $0x40, s26, s16, $0xb8;
	[tilespmem:$0x17A60] =	vst v63  }
0x46: {  	_ =	swait.ge [sflag:s11], $0x2000  }
0x47: {  	s28 =	smov.u32 s31;
	s26 =	sshra.s32 s30, $0x2;
	[sflag:s11] =	ssyncset.done $0x0  }
0x48: {  	s28 =	sadd.s32 $0x80, s26;
	[sflag:s11] =	ssyncadd.s32 $0xFFFFE000  }
0x49: {  	[tilespmem:s18], [sflag:$0x2] =	stream.indirect.gather [hbm4b:s7+s16], $0x40, s28, s16, $0xb8;
	[tilespmem:$0x17A60] =	vst v63  }
0x4a: {  	_ =	swait.ge [sflag:s19], $0x2000  }
0x4b: {  	[sflag:s19] =	ssyncset.done $0x0  }
0x4c: {  	s29 =	sadd.s32 $0x4F00, s26;
	[sflag:s19] =	ssyncadd.s32 $0xFFFFE000  }
0x4d: {  	[spmem:s2] =	stream.indirect.scatter.add.f32 [tilespmem:s17], [sflag:$0x3], $0x40, s29, s16, $0xb8;
	[tilespmem:$0x17A60] =	vst v63  }
0x4e: {  	_ =	swait.ge [sflag:s11], $0x2000  }
0x4f: {  	[sflag:s11] =	ssyncset.done $0x0  }
0x50: {  	s30 =	sadd.s32 $0x100, s26;
	[sflag:s11] =	ssyncadd.s32 $0xFFFFE000  }
0x51: {  	[tilespmem:s17], [sflag:$0x1] =	stream.indirect.gather [hbm4b:s7+s16], $0x40, s30, s16, $0xb8;
	[tilespmem:$0x17A60] =	vst v63  }
0x52: {  	_ =	swait.ge [sflag:s20], $0x2000  }
0x53: {  	[sflag:s20] =	ssyncset.done $0x0  }
0x54: {  	s31 =	sadd.s32 $0x4F80, s26;
	[sflag:s20] =	ssyncadd.s32 $0xFFFFE000  }
0x55: {  	[spmem:s2] =	stream.indirect.scatter.add.f32 [tilespmem:s18], [sflag:$0x3], $0x40, s31, s16, $0xb8;
	[tilespmem:$0x17A60] =	vst v63  }
0x56: {  	_ =	swait.ge [sflag:s11], $0x2000  }
0x57: {  	[sflag:s11] =	ssyncset.done $0x0  }
0x58: {  	[sflag:s11] =	ssyncadd.s32 $0xFFFFE000  }
0x59: {  	[tilespmem:s18], [sflag:$0x2] =	stream.indirect.gather [hbm4b:s7+s16], $0x40, s21, s16, $0xb8;
	[tilespmem:$0x17A60] =	vst v63  }
0x5a: {  	_ =	swait.ge [sflag:s19], $0x2000  }
0x5b: {  	[sflag:s19] =	ssyncset.done $0x0  }
0x5c: {  	[sflag:s19] =	ssyncadd.s32 $0xFFFFE000  }
0x5d: {  	[spmem:s2] =	stream.indirect.scatter.add.f32 [tilespmem:s17], [sflag:$0x3], $0x40, s22, s16, $0xb8;
	[tilespmem:$0x17A60] =	vst v63  }
0x5e: {  	_ =	swait.ge [sflag:s11], $0x2000  }
0x5f: {  	[sflag:s11] =	ssyncset.done $0x0  }
0x60: {  	[sflag:s11] =	ssyncadd.s32 $0xFFFFE000  }
0x61: {  	_ =	swait.ge [sflag:s20], $0x2000  }
0x62: {  	[sflag:s20] =	ssyncset.done $0x0  }
0x63: {  	[sflag:s20] =	ssyncadd.s32 $0xFFFFE000  }
0x64: {  	[spmem:s2] =	stream.indirect.scatter.add.f32 [tilespmem:s18], [sflag:$0x3], $0x40, s23, s16, $0xb8;
	[tilespmem:$0x17A60] =	vst v63  }
0x65: {  	_ =	swait.ge [sflag:s11], $0x2000  }
0x66: {  	[sflag:s11] =	ssyncset.done $0x0  }
0x67: {  	[sflag:s11] =	ssyncadd.s32 $0xFFFFE000  }
0x68: {  	s26 =	simm.s32 @p0 $0x1FC3;
	[bflag:$0x0] =	sbarrier.arrive $0xFFFF  }
0x69: {  	[hbm:s9], [sflag:s26] =	dma.local @p0 [spmem:s13], $0x1040  }
0x6a: {  	s26 =	simm.s32 @p0 $0x3  }
0x6b: {  	s25 =	sadd.s32 $0x1, s25;
	_ =	swait.ge @p0 [sflag:s26], $0x1040  }
0x6c: {  	p1 =	sne.s32 s25, s10;
	[sflag:s26] =	ssyncset.done @p0 $0x0  }
.Ltmp1:
0x6d: {  	[sflag:s26] =	ssyncadd.s32 @p0 $0xFFFFEFC0;
	s26 =	simm.s32 @!p0 $0x3;
	(pc) =	sbr.rel @p1 .LBB2_1-.Ltmp1, $4  }
0x6e: {  	[hbm:s8], [sflag:s14] =	dma.local @!p0 [spmem:s24], $0x13C0  }
0x6f: {  	_ =	swait.ge @!p0 [sflag:s26], $0x13C0  }
0x70: {  	[sflag:s26] =	ssyncset.done @!p0 $0x0  }
0x71: {  	[sflag:s26] =	ssyncadd.s32 @!p0 $0xFFFFEC40  }
0x72: {  	_ =	sfence.sel $0x180000  }
0x73: {  	[bflag:$0x0] =	sbarrier.arrive $0xFFFF  }
0x74: {  	p0 =	sne.s32 s1, $0x0;
	_ =	strace $0x9000004A  }
0x75: {  	s0 =	sadd.s32 @!p0 $0x100000, s0;
	[bflag:$0x2] =	sbarrier.arrive $0xFFFF  }
0x76: {  	[sflag:s0] =	ssyncadd.tile.s32 @!p0 $0x1;
	_ =	shalt  }
.Lfunc_end2:
_tile_overlayer_lowered:
.L_overlay_start_2:
0x77: {  	(tag) =	ssettag $0x2  }
0x78: {  	s0 =	rddreg [dreg:$0x0];
	s2 =	stileid.u32  }
0x79: {  	s1 =	rddreg [dreg:$0x1];
	p0 =	sne.s32 s2, $0x0  }
0x7a: {  	s3 =	rddreg [dreg:$0x2];
	[bflag:$0x3] =	sbarrier.arrive $0xFFFF;
	s2 =	simm.s32 @!p0 $0x1C03  }
0x7b: {  	[timem:s3], [sflag:s2] =	dma.local @!p0 [hbm:s0], s1  }
0x7c: {  	s0 =	simm.s32 @!p0 $0x3  }
0x7d: {  	_ =	swait.ge @!p0 [sflag:s0], s1  }
0x7e: {  	s1 =	ssub.s32 @!p0 $0x0, s1;
	[sflag:s0] =	ssyncset.done @!p0 $0x0  }
0x7f: {  	[sflag:s0] =	ssyncadd.s32 @!p0 s1  }
0x80: {  	[bflag:$0x3] =	sbarrier.arrive $0xFFFF  }
0x81: {  	_ =	shalt  }

// kernel: kernel.15.cloned.1.call-start
scs
__scs_entry_jumppad:
0x0: {  	(pc) =	sbr.rel $0x88, $3  }
0x1: {  	(tag) =	ssettag $0x0;
	lr =	simm.s32 $0x1  }
0x2: {  	[smem:$0x3F99] =	sst lr;
	_ =	strace $0xD0000000  }
0x3: {  	_ = 	snop  }
0x4: {  	_ = 	snop  }
0x5: {  	_ = 	snop  }
0x6: {  	_ = 	snop  }
0x7: {  	_ = 	snop  }
__scs_overlays_trampoline_lowered:
0x8: {  	[smem:$0x3FA8] =	sst s0  }
0x9: {  	[smem:$0x3FA9] =	sst s1  }
0xa: {  	[smem:$0x3FAA] =	sst s2  }
0xb: {  	[smem:$0x3FAB] =	sst s3  }
0xc: {  	[smem:$0x3FAC] =	sst s4  }
0xd: {  	[smem:$0x3FAD] =	sst s5  }
0xe: {  	[smem:$0x3FAE] =	sst s6  }
0xf: {  	[smem:$0x3FAF] =	sst s7  }
0x10: {  	[smem:$0x3FB0] =	sst s8  }
0x11: {  	[smem:$0x3FB1] =	sst s9;
	s0 =	simm.s32 @!p0 $0x0  }
0x12: {  	s1 =	sld [smem:$0x3F97];
	s0 =	simm.s32 @p0 $0x1  }
0x13: {  	[smem:$0x3FB2] =	sst s0;
	s0 =	simm.s32 @!p1 $0x0  }
0x14: {  	s2 =	sld [smem:$0x3F96];
	s0 =	simm.s32 @p1 $0x1  }
0x15: {  	[smem:$0x3FB3] =	sst s0;
	s0 =	simm.s32 @!p2 $0x0  }
0x16: {  	s3 =	sld [smem:$0x3FDB];
	s0 =	simm.s32 @p2 $0x1  }
0x17: {  	s4 =	simm.s32 $0x1BF5;
	[smem:$0x3FB5] =	sst s0  }
0x18: {  	s0 =	sld [smem:$0x3F98];
	_ =	swait.ge [sflag:s4], $0x0  }
0x19: {  	s7 =	sld [smem:$0x3F99]  }
0x1a: {  	s8 =	sadd.s32 $0xFFFFE003, lr  }
0x1b: {  	s9 =	sadd.s32 $0xFFFFFEF7, lr;
	s5 =	simm.s32 $0xFFFFFFFF;
	p2 =	slt.u32 s8, $0xFFFFF086  }
0x1c: {  	p1 =	slt.u32 s9, $0xF7A;
	s5 =	simm.s32 @!p2 $0x0  }
0x1d: {  	s5 =	simm.s32 @p1 $0x1;
	p0 =	seq.s32 s7, s2  }
0x1e: {  	s7 =	smul.u32 @!p0 $0xF7A, s2;
	p2 =	seq.s32 @!p0 s5, $0x0  }
0x1f: {  	s9 =	smul.u32 $0xF7A, s1;
	s8 =	simm.s32 @!p0 $0x1BF5;
	p2 =	por !p2, p0  }
0x20: {  	[sflag:s8] =	ssyncset.s32 @!p0 $0xFFFFF086;
	s6 =	sadd.s32 @!p0 s3, s7;
	s7 =	simm.s32 @!p0 $0x108  }
0x21: {  	s3 =	sadd.s32 s3, s9;
	s6 =	sadd.s32 @!p0 $0x88, s6;
	s7 =	simm.s32 @p2 $0x1082  }
0x22: {  	[simem:s7], [sflag:s8] =	dma.local @!p0 [hbm:s6], $0xF7A  }
0x23: {  	s9 =	sor.u32 $0xD0000000, s2;
	s6 =	simm.s32 $0x108;
	_ =	swait.ge @!p0 [sflag:s8], $0x0  }
0x24: {  	s3 =	sadd.s32 $0x88, s3;
	s6 =	simm.s32 @!p1 $0x1082;
	[sflag:s4] =	ssyncset.s32 $0xFFFFF086  }
0x25: {  	[simem:s6], [sflag:s4] =	dma.local [hbm:s3], $0xF7A  }
0x26: {  	[smem:$0x3F99] =	sst s1;
	(tag) =	ssettag s2;
	_ =	strace s9  }
0x27: {  	s1 =	sld [smem:$0x3FA9]  }
0x28: {  	s2 =	sld [smem:$0x3FAA]  }
0x29: {  	s4 =	sld [smem:$0x3FAC]  }
0x2a: {  	p0 =	seq.s32 s5, $0x0;
	s5 =	sld [smem:$0x3FAD]  }
0x2b: {  	s6 =	sld [smem:$0x3FAE]  }
0x2c: {  	s7 =	sld [smem:$0x3FAF]  }
0x2d: {  	s3 =	simm.s32 $0x108;
	s8 =	sld [smem:$0x3FB0]  }
0x2e: {  	s3 =	simm.s32 @!p0 $0x1082;
	s9 =	sld [smem:$0x3FB1]  }
0x2f: {  	lr =	sadd.s32 s0, s3;
	s0 =	sld [smem:$0x3FA8]  }
0x30: {  	s3 =	sld [smem:$0x3FAB]  }
0x31: {  	[smem:$0x3FB4] =	sst s10  }
0x32: {  	s10 =	sld [smem:$0x3FB2];
	_ =	sdelay $0x3  }
0x33: {  	p0 =	seq.s32 s10, $0x1;
	s10 =	sld [smem:$0x3FB4];
	_ =	sdelay $0x3  }
0x34: {  	[smem:$0x3FB4] =	sst s10  }
0x35: {  	s10 =	sld [smem:$0x3FB3];
	_ =	sdelay $0x3  }
0x36: {  	p1 =	seq.s32 s10, $0x1;
	s10 =	sld [smem:$0x3FB4];
	_ =	sdelay $0x3  }
0x37: {  	[smem:$0x3FB4] =	sst s10  }
0x38: {  	s10 =	sld [smem:$0x3FB5]  }
0x39: {  	_ = 	snop;
	(pc) =	sbr.ind lr, $3  }
0x3a: {  	_ = 	snop  }
0x3b: {  	_ = 	snop  }
0x3c: {  	p2 =	seq.s32 s10, $0x1;
	s10 =	sld [smem:$0x3FB4]  }
0x3d: {  	_ =	shalt  }
0x3e: {  	_ =	shalt  }
0x3f: {  	_ =	shalt  }
0x40: {  	_ =	shalt  }
0x41: {  	_ =	shalt  }
0x42: {  	_ =	shalt  }
0x43: {  	_ =	shalt  }
0x44: {  	_ =	shalt  }
0x45: {  	_ =	shalt  }
0x46: {  	_ =	shalt  }
0x47: {  	_ =	shalt  }
0x48: {  	_ =	shalt  }
0x49: {  	_ =	shalt  }
0x4a: {  	_ =	shalt  }
0x4b: {  	_ =	shalt  }
0x4c: {  	_ =	shalt  }
0x4d: {  	_ =	shalt  }
0x4e: {  	_ =	shalt  }
0x4f: {  	_ =	shalt  }
0x50: {  	_ =	shalt  }
0x51: {  	_ =	shalt  }
0x52: {  	_ =	shalt  }
0x53: {  	_ =	shalt  }
0x54: {  	_ =	shalt  }
0x55: {  	_ =	shalt  }
0x56: {  	_ =	shalt  }
0x57: {  	_ =	shalt  }
0x58: {  	_ =	shalt  }
0x59: {  	_ =	shalt  }
0x5a: {  	_ =	shalt  }
0x5b: {  	_ =	shalt  }
0x5c: {  	_ =	shalt  }
0x5d: {  	_ =	shalt  }
0x5e: {  	_ =	shalt  }
0x5f: {  	_ =	shalt  }
0x60: {  	_ =	shalt  }
0x61: {  	_ =	shalt  }
0x62: {  	_ =	shalt  }
0x63: {  	_ =	shalt  }
0x64: {  	_ =	shalt  }
0x65: {  	_ =	shalt  }
0x66: {  	_ =	shalt  }
0x67: {  	_ =	shalt  }
0x68: {  	_ =	shalt  }
0x69: {  	_ =	shalt  }
0x6a: {  	_ =	shalt  }
0x6b: {  	_ =	shalt  }
0x6c: {  	_ =	shalt  }
0x6d: {  	_ =	shalt  }
0x6e: {  	_ =	shalt  }
0x6f: {  	_ =	shalt  }
0x70: {  	_ =	shalt  }
0x71: {  	_ =	shalt  }
0x72: {  	_ =	shalt  }
0x73: {  	_ =	shalt  }
0x74: {  	_ =	shalt  }
0x75: {  	_ =	shalt  }
0x76: {  	_ =	shalt  }
0x77: {  	_ =	shalt  }
0x78: {  	_ =	shalt  }
0x79: {  	_ =	shalt  }
0x7a: {  	_ =	shalt  }
0x7b: {  	_ =	shalt  }
0x7c: {  	_ =	shalt  }
0x7d: {  	_ =	shalt  }
0x7e: {  	_ =	shalt  }
0x7f: {  	_ =	shalt  }
0x80: {  	_ =	shalt  }
0x81: {  	_ =	shalt  }
0x82: {  	_ =	shalt  }
0x83: {  	_ =	shalt  }
0x84: {  	_ =	shalt  }
0x85: {  	_ =	shalt  }
0x86: {  	_ =	shalt  }
0x87: {  	_ =	shalt  }
.Lfunc_end0:
.L_simem_size_0:
called_computation.2_lowered:
.L_overlay_start_0:
0x88: {  	s2 =	sld [smem:$0x3FD9]  }
0x89: {  	s3 =	sld [smem:$0x3FFE];
	_ =	sdelay $0x1  }
0x8a: {  	s1 =	srdreg.scid  }
0x8b: {  	s0 =	sand.u32 $0x1, s1  }
0x8c: {  	s17 =	sshll.u32 s0, $0xA;
	s2 =	sadd.s32 s3, s2  }
0x8d: {  	s2 =	sadd.s32 s2, s17  }
0x8e: {  	[smem:$0x3FC0] =	sst s2  }
0x8f: {  	_ = 	snop  }
0x90: {  	s2 =	sld [smem:$0x3FD0];
	(tm) =	ssettm $0x1  }
0x91: {  	s18 =	sld [smem:$0x3FFB];
	_ =	sdelay $0x3  }
0x92: {  	_ =	strace s18  }
0x93: {  	s3 =	sld [smem:$0x3FFC];
	_ =	sdelay $0x3  }
0x94: {  	_ =	strace s3  }
0x95: {  	s3 =	sld [smem:$0x3FFD];
	_ =	sdelay $0x3  }
0x96: {  	_ =	strace s3  }
0x97: {  	_ =	strace $0x8FFFFFFF  }
0x98: {  	s19 =	sld [smem:$0x3FDB];
	_ =	sdelay $0x1  }
0x99: {  	s4 =	simm.s32 $_scs_section_size  }
0x9a: {  	s5 =	simm.s32 $_size__tile_overlayer_lowered;
	s6 =	simm.s32 $_tile_overlayer_lowered  }
0x9b: {  	s22 =	simm.s32 $0x1BFF;
	s21 =	sshll.u32 s6, $0x1;
	s3 =	sadd.s32 s4, s19  }
0x9c: {  	s7 =	simm.s32 $0x0;
	s20 =	sshll.u32 s5, $0x1;
	s5 =	sadd.s32 s21, s3  }
0x9d: {  	[timem:s7], [sflag:s22] =	dma.local [hbm:s5], s20  }
0x9e: {  	_ =	swait.ge [sflag:s22], s20  }
0x9f: {  	s4 =	ssub.s32 $0x0, s20;
	[sflag:s22] =	ssyncset.done $0x0  }
0xa0: {  	[sflag:s22] =	ssyncadd.s32 s4;
	_ =	sdelay $0x1  }
0xa1: {  	s23 =	simm.s32 $0x1B8B  }
0xa2: {  	_ =	swait.ge [sflag:s23], $0x1  }
0xa3: {  	[sflag:s23] =	ssyncset.done $0x0  }
0xa4: {  	s25 =	simm.s32 $0x1B8E;
	s24 =	sld [smem:$0x3FFE];
	[sflag:s23] =	ssyncadd.s32 $0xFFFFFFFF  }
0xa5: {  	s26 =	simm.s32 $execute0_lowered;
	[smem:$0x3FD2] =	sst s25  }
0xa6: {  	s5 =	sshll.u32 s26, $0x1;
	_ =	strace $0x8000004C;
	[dreg:$0x1] =	wrdreg $0xFFFFFFFF  }
0xa7: {  	s28 =	simm.s32 $_size_execute0_lowered;
	s3 =	sadd.s32 s3, s5;
	[dreg:$0x0] =	wrdreg $0x0  }
0xa8: {  	s5 =	sshll.u32 s28, $0x1;
	[dreg:$0x2] =	wrdreg s3  }
0xa9: {  	[dreg:$0x3] =	wrdreg s5  }
0xaa: {  	[dreg:$0x4] =	wrdreg $0xC0  }
0xab: {  	_ =	task [dreg:s7], $0x5FFFF  }
0xac: {  	[dreg:$0x1] =	wrdreg $0xFFFFFFFF  }
0xad: {  	[dreg:$0x0] =	wrdreg $0x60  }
0xae: {  	[dreg:$0x2] =	wrdreg s2  }
0xaf: {  	[dreg:$0x3] =	wrdreg s24  }
0xb0: {  	[dreg:$0x4] =	wrdreg $0xDE000  }
0xb1: {  	[dreg:$0x5] =	wrdreg $0x9  }
0xb2: {  	_ =	task.clear_ibuf [dreg:s7], $0x6FFFF;
	_ =	strace $0x9000004C  }
0xb3: {  	s29 =	simm.s32 $0x9;
	_ =	strace $0x8000004E  }
0xb4: {  	_ =	swait.ge [sflag:s29], $0x1  }
0xb5: {  	[sflag:s29] =	ssyncadd.s32 $0xFFFFFFFF  }
0xb6: {  	_ =	strace $0x9000004E  }
0xb7: {  	_ =	sfence  }
0xb8: {  	s30 =	sld [smem:$0x0];
	_ =	sdelay $0x2  }
0xb9: {  	s31 =	sshll.u32 s1, $0xD;
	s1 =	sshrl.u32 s1, $0x2  }
0xba: {  	s3 =	sand.u32 $0x4000, s31;
	s1 =	sadd.s32 s1, s30  }
0xbb: {  	s0 =	sor.u32 s3, s0;
	s1 =	sshll.u32 s1, $0x11  }
0xbc: {  	s0 =	sor.u32 s1, s0  }
0xbd: {  	s0 =	sadd.s32 $0x8F2B, s0  }
0xbe: {  	[sflag:s0] =	ssyncadd.remote.s32 $0x1  }
0xbf: {  	_ =	sfence.sel $0xFFFF  }
0xc0: {  	[dreg:$0x0] =	wrdreg $0xFFFFFFFF;
	(pc) =	sbr.abs _section_cstart, $3  }
0xc1: {  	[dreg:$0x1] =	wrdreg $0xFFFFFFFF  }
0xc2: {  	_ =	task.clear_ibuf [dreg:s7], $0x2FFFF;
	_ =	strace $0x9FFFFFFF  }
0xc3: {  	(tm) =	ssettm $0x7FFFFFFF  }
tec
execute0_lowered:
.L_overlay_start_1:
0x0: {  	(tag) =	ssettag $0x1  }
0x1: {  	s7 =	rddreg [dreg:$0x0]  }
0x2: {  	s5 =	rddreg [dreg:$0x1]  }
0x3: {  	s2 =	rddreg [dreg:$0x2]  }
0x4: {  	s1 =	stileid.u32;
	s0 =	rddreg [dreg:$0x3];
	s3 =	simm.s32 $0x0  }
0x5: {  	s6 =	srdreg.scid;
	s16 =	simm.s32 $0x80;
	s17 =	simm.s32 $0x9E00  }
0x6: {  	s18 =	simm.s32 $0xBE00;
	s19 =	simm.s32 $0x1;
	s20 =	simm.s32 $0x2  }
0x7: {  	s21 =	simm.s32 $0x4E80;
	s22 =	simm.s32 $0x9D00;
	s4 =	smul.u32 $0x9E0, s1  }
0x8: {  	s23 =	simm.s32 $0x9D80;
	[smem:$0x7FF] =	sst s3;
	s10 =	smul.u32 $0x27800, s1  }
0x9: {  	s6 =	sand.u32 $0x1, s6;
	s11 =	sadd.s32 $0x16200, s5;
	s28 =	smul.u32 $0x9E00, s1  }
0xa: {  	s14 =	sadd.s32 $0x94200, s2;
	p0 =	seq.s32 s1, $0xF;
	_ =	strace $0x8000004D  }
0xb: {  	s9 =	ssub.s32 $0x2, s6;
	s12 =	smul.u32 $0x9C400, s6;
	s8 =	sadd.s32 s4, s5  }
0xc: {  	s4 =	sadd.s32 $0x14E00, s5;
	s25 =	sshrl.u32 s9, $0x1;
	s26 =	sshrl.u32 s10, $0x2  }
0xd: {  	s24 =	sadd.s32 s28, s2;
	s13 =	ssub.s32 s9, s25;
	s5 =	sadd.s32 $0xB000, s8  }
0xe: {  	s6 =	sadd.s32 $0x1200, s8;
	s15 =	sadd.s32 s26, s2;
	s29 =	sshrl.u32 s12, $0x3  }
0xf: {  	s30 =	sadd.s32 s28, s12;
	s12 =	simm.s32 $0x4F00;
	s24 =	sshrl.u32 @!p0 s24, $0x3  }
0x10: {  	s25 =	simm.s32 $0x0;
	s7 =	sadd.s32 s7, s29;
	s9 =	sshrl.u32 s30, $0x3  }
0x11: {  	s31 =	sadd.s32 s11, s29;
	s10 =	smax.u32 s13, $0x1;
	s13 =	sshrl.u32 @p0 s14, $0x3  }
0x12: {  	s14 =	sshll.u32 @!p0 s1, $0x6;
	s15 =	sshrl.u32 @!p0 s15, $0x3;
	s8 =	sadd.s32 s11, s9  }
0x13: {  	s9 =	sadd.s32 $0x12840, s31;
	s11 =	simm.s32 $0x3;
	s14 =	sor.u32 @!p0 $0x1C03, s14  }
.LBB2_1:
0x14: {  	[tilespmem:s3], [sflag:$0x3] =	stream.linear.gather [hbm4b:s5+s3], $0x4F00, $0x38;
	[tilespmem:$0x17A60] =	vst v63  }
0x15: {  	_ =	swait.ge [sflag:s11], $0x4F00  }
0x16: {  	[sflag:s11] =	ssyncset.done $0x0  }
0x17: {  	[sflag:s11] =	ssyncadd.s32 $0xFFFFB100  }
0x18: {  	[tilespmem:s12], [sflag:$0x3] =	stream.linear.gather [hbm4b:s6+s3], $0x4F00, $0x38;
	[tilespmem:$0x17A60] =	vst v63  }
0x19: {  	_ =	swait.ge [sflag:s11], $0x4F00  }
0x1a: {  	[sflag:s11] =	ssyncset.done $0x0  }
0x1b: {  	s26 =	simm.s32 @p0 $0x1FC3;
	[sflag:s11] =	ssyncadd.s32 $0xFFFFB100  }
0x1c: {  	[spmem:s13], [sflag:s26] =	dma.local @p0 [hbm:s4], $0x1080  }
0x1d: {  	s26 =	simm.s32 @p0 $0x3  }
0x1e: {  	_ =	swait.ge @p0 [sflag:s26], $0x1080  }
0x1f: {  	[sflag:s26] =	ssyncset.done @p0 $0x0  }
0x20: {  	[sflag:s26] =	ssyncadd.s32 @p0 $0xFFFFEF80;
	s26 =	simm.s32 @!p0 $0x3  }
0x21: {  	[spmem:s15], [sflag:s14] =	dma.local @!p0 [hbm:s4], $0x13C0  }
0x22: {  	_ =	swait.ge @!p0 [sflag:s26], $0x13C0  }
0x23: {  	[sflag:s26] =	ssyncset.done @!p0 $0x0  }
0x24: {  	[sflag:s26] =	ssyncadd.s32 @!p0 $0xFFFFEC40  }
0x25: {  	[bflag:$0x0] =	sbarrier.arrive $0xFFFF  }
0x26: {  	[tilespmem:s17], [sflag:$0x1] =	stream.indirect.gather [hbm4b:s7+s16], $0x40, s3, s16, $0xb8;
	[tilespmem:$0x17A60] =	vst v63  }
0x27: {  	s31 =	simm.s32 $0x80  }
0x28: {  	[tilespmem:s18], [sflag:$0x2] =	stream.indirect.gather [hbm4b:s7+s16], $0x40, s31, s16, $0xb8;
	[tilespmem:$0x17A60] =	vst v63  }
0x29: {  	_ =	swait.ge [sflag:s19], $0x2000  }
0x2a: {  	[sflag:s19] =	ssyncset.done $0x0  }
0x2b: {  	s29 =	simm.s32 $0x4F00;
	[sflag:s19] =	ssyncadd.s32 $0xFFFFE000  }
0x2c: {  	[spmem:s2] =	stream.indirect.scatter.add.f32 [tilespmem:s17], [sflag:$0x3], $0x40, s29, s16, $0xb8;
	[tilespmem:$0x17A60] =	vst v63  }
0x2d: {  	_ =	swait.ge [sflag:s11], $0x2000  }
0x2e: {  	[sflag:s11] =	ssyncset.done $0x0  }
0x2f: {  	s30 =	simm.s32 $0x100;
	[sflag:s11] =	ssyncadd.s32 $0xFFFFE000  }
0x30: {  	[tilespmem:s17], [sflag:$0x1] =	stream.indirect.gather [hbm4b:s7+s16], $0x40, s30, s16, $0xb8;
	[tilespmem:$0x17A60] =	vst v63  }
0x31: {  	_ =	swait.ge [sflag:s20], $0x2000  }
0x32: {  	[sflag:s20] =	ssyncset.done $0x0  }
0x33: {  	s31 =	simm.s32 $0x4F80;
	[sflag:s20] =	ssyncadd.s32 $0xFFFFE000  }
0x34: {  	[spmem:s2] =	stream.indirect.scatter.add.f32 [tilespmem:s18], [sflag:$0x3], $0x40, s31, s16, $0xb8;
	[tilespmem:$0x17A60] =	vst v63  }
0x35: {  	_ =	swait.ge [sflag:s11], $0x2000  }
0x36: {  	s28 =	simm.s32 $0x800;
	s26 =	simm.s32 $0x100;
	[sflag:s11] =	ssyncset.done $0x0  }
.LBB2_2:
0x37: {  	s29 =	sadd.s32 $0x80, s26  }
0x38: {  	[sflag:s11] =	ssyncadd.s32 $0xFFFFE000;
	s30 =	smov.u32 s28;
	s31 =	sadd.s32 $0x400, s28  }
0x39: {  	[tilespmem:s18], [sflag:$0x2] =	stream.indirect.gather [hbm4b:s7+s16], $0x40, s29, s16, $0xb8;
	[tilespmem:$0x17A60] =	vst v63  }
0x3a: {  	p1 =	sne.s32 s28, $0x13400;
	_ =	swait.ge [sflag:s19], $0x2000  }
0x3b: {  	[sflag:s19] =	ssyncset.done $0x0  }
0x3c: {  	s28 =	sadd.s32 $0x4F00, s26;
	[sflag:s19] =	ssyncadd.s32 $0xFFFFE000  }
0x3d: {  	[spmem:s2] =	stream.indirect.scatter.add.f32 [tilespmem:s17], [sflag:$0x3], $0x40, s28, s16, $0xb8;
	[tilespmem:$0x17A60] =	vst v63  }
0x3e: {  	_ =	swait.ge [sflag:s11], $0x2000  }
0x3f: {  	[sflag:s11] =	ssyncset.done $0x0  }
0x40: {  	s28 =	sadd.s32 $0x100, s26;
	[sflag:s11] =	ssyncadd.s32 $0xFFFFE000  }
0x41: {  	[tilespmem:s17], [sflag:$0x1] =	stream.indirect.gather [hbm4b:s7+s16], $0x40, s28, s16, $0xb8;
	[tilespmem:$0x17A60] =	vst v63  }
0x42: {  	_ =	swait.ge [sflag:s20], $0x2000  }
.Ltmp0:
0x43: {  	[sflag:s20] =	ssyncset.done $0x0;
	(pc) =	sbr.rel @p1 .LBB2_2-.Ltmp0, $4  }
0x44: {  	s26 =	sadd.s32 $0x4F80, s26;
	[sflag:s20] =	ssyncadd.s32 $0xFFFFE000  }
0x45: {  	[spmem:s2] =	stream.indirect.scatter.add.f32 [tilespmem:s18], [sflag:$0x3], $0x40, s26, s16, $0xb8;
	[tilespmem:$0x17A60] =	vst v63  }
0x46: {  	_ =	swait.ge [sflag:s11], $0x2000  }
0x47: {  	s28 =	smov.u32 s31;
	s26 =	sshra.s32 s30, $0x2;
	[sflag:s11] =	ssyncset.done $0x0  }
0x48: {  	s28 =	sadd.s32 $0x80, s26;
	[sflag:s11] =	ssyncadd.s32 $0xFFFFE000  }
0x49: {  	[tilespmem:s18], [sflag:$0x2] =	stream.indirect.gather [hbm4b:s7+s16], $0x40, s28, s16, $0xb8;
	[tilespmem:$0x17A60] =	vst v63  }
0x4a: {  	_ =	swait.ge [sflag:s19], $0x2000  }
0x4b: {  	[sflag:s19] =	ssyncset.done $0x0  }
0x4c: {  	s29 =	sadd.s32 $0x4F00, s26;
	[sflag:s19] =	ssyncadd.s32 $0xFFFFE000  }
0x4d: {  	[spmem:s2] =	stream.indirect.scatter.add.f32 [tilespmem:s17], [sflag:$0x3], $0x40, s29, s16, $0xb8;
	[tilespmem:$0x17A60] =	vst v63  }
0x4e: {  	_ =	swait.ge [sflag:s11], $0x2000  }
0x4f: {  	[sflag:s11] =	ssyncset.done $0x0  }
0x50: {  	s30 =	sadd.s32 $0x100, s26;
	[sflag:s11] =	ssyncadd.s32 $0xFFFFE000  }
0x51: {  	[tilespmem:s17], [sflag:$0x1] =	stream.indirect.gather [hbm4b:s7+s16], $0x40, s30, s16, $0xb8;
	[tilespmem:$0x17A60] =	vst v63  }
0x52: {  	_ =	swait.ge [sflag:s20], $0x2000  }
0x53: {  	[sflag:s20] =	ssyncset.done $0x0  }
0x54: {  	s31 =	sadd.s32 $0x4F80, s26;
	[sflag:s20] =	ssyncadd.s32 $0xFFFFE000  }
0x55: {  	[spmem:s2] =	stream.indirect.scatter.add.f32 [tilespmem:s18], [sflag:$0x3], $0x40, s31, s16, $0xb8;
	[tilespmem:$0x17A60] =	vst v63  }
0x56: {  	_ =	swait.ge [sflag:s11], $0x2000  }
0x57: {  	[sflag:s11] =	ssyncset.done $0x0  }
0x58: {  	[sflag:s11] =	ssyncadd.s32 $0xFFFFE000  }
0x59: {  	[tilespmem:s18], [sflag:$0x2] =	stream.indirect.gather [hbm4b:s7+s16], $0x40, s21, s16, $0xb8;
	[tilespmem:$0x17A60] =	vst v63  }
0x5a: {  	_ =	swait.ge [sflag:s19], $0x2000  }
0x5b: {  	[sflag:s19] =	ssyncset.done $0x0  }
0x5c: {  	[sflag:s19] =	ssyncadd.s32 $0xFFFFE000  }
0x5d: {  	[spmem:s2] =	stream.indirect.scatter.add.f32 [tilespmem:s17], [sflag:$0x3], $0x40, s22, s16, $0xb8;
	[tilespmem:$0x17A60] =	vst v63  }
0x5e: {  	_ =	swait.ge [sflag:s11], $0x2000  }
0x5f: {  	[sflag:s11] =	ssyncset.done $0x0  }
0x60: {  	[sflag:s11] =	ssyncadd.s32 $0xFFFFE000  }
0x61: {  	_ =	swait.ge [sflag:s20], $0x2000  }
0x62: {  	[sflag:s20] =	ssyncset.done $0x0  }
0x63: {  	[sflag:s20] =	ssyncadd.s32 $0xFFFFE000  }
0x64: {  	[spmem:s2] =	stream.indirect.scatter.add.f32 [tilespmem:s18], [sflag:$0x3], $0x40, s23, s16, $0xb8;
	[tilespmem:$0x17A60] =	vst v63  }
0x65: {  	_ =	swait.ge [sflag:s11], $0x2000  }
0x66: {  	[sflag:s11] =	ssyncset.done $0x0  }
0x67: {  	[sflag:s11] =	ssyncadd.s32 $0xFFFFE000  }
0x68: {  	s26 =	simm.s32 @p0 $0x1FC3;
	[bflag:$0x0] =	sbarrier.arrive $0xFFFF  }
0x69: {  	[hbm:s9], [sflag:s26] =	dma.local @p0 [spmem:s13], $0x1040  }
0x6a: {  	s26 =	simm.s32 @p0 $0x3  }
0x6b: {  	s25 =	sadd.s32 $0x1, s25;
	_ =	swait.ge @p0 [sflag:s26], $0x1040  }
0x6c: {  	p1 =	sne.s32 s25, s10;
	[sflag:s26] =	ssyncset.done @p0 $0x0  }
.Ltmp1:
0x6d: {  	[sflag:s26] =	ssyncadd.s32 @p0 $0xFFFFEFC0;
	s26 =	simm.s32 @!p0 $0x3;
	(pc) =	sbr.rel @p1 .LBB2_1-.Ltmp1, $4  }
0x6e: {  	[hbm:s8], [sflag:s14] =	dma.local @!p0 [spmem:s24], $0x13C0  }
0x6f: {  	_ =	swait.ge @!p0 [sflag:s26], $0x13C0  }
0x70: {  	[sflag:s26] =	ssyncset.done @!p0 $0x0  }
0x71: {  	[sflag:s26] =	ssyncadd.s32 @!p0 $0xFFFFEC40  }
0x72: {  	_ =	sfence.sel $0x180000  }
0x73: {  	[bflag:$0x0] =	sbarrier.arrive $0xFFFF  }
0x74: {  	p0 =	sne.s32 s1, $0x0;
	_ =	strace $0x9000004D  }
0x75: {  	s0 =	sadd.s32 @!p0 $0x100000, s0;
	[bflag:$0x2] =	sbarrier.arrive $0xFFFF  }
0x76: {  	[sflag:s0] =	ssyncadd.tile.s32 @!p0 $0x1;
	_ =	shalt  }
.Lfunc_end2:
_tile_overlayer_lowered:
.L_overlay_start_2:
0x77: {  	(tag) =	ssettag $0x2  }
0x78: {  	s0 =	rddreg [dreg:$0x0];
	s2 =	stileid.u32  }
0x79: {  	s1 =	rddreg [dreg:$0x1];
	p0 =	sne.s32 s2, $0x0  }
0x7a: {  	s3 =	rddreg [dreg:$0x2];
	[bflag:$0x3] =	sbarrier.arrive $0xFFFF;
	s2 =	simm.s32 @!p0 $0x1C03  }
0x7b: {  	[timem:s3], [sflag:s2] =	dma.local @!p0 [hbm:s0], s1  }
0x7c: {  	s0 =	simm.s32 @!p0 $0x3  }
0x7d: {  	_ =	swait.ge @!p0 [sflag:s0], s1  }
0x7e: {  	s1 =	ssub.s32 @!p0 $0x0, s1;
	[sflag:s0] =	ssyncset.done @!p0 $0x0  }
0x7f: {  	[sflag:s0] =	ssyncadd.s32 @!p0 s1  }
0x80: {  	[bflag:$0x3] =	sbarrier.arrive $0xFFFF  }
0x81: {  	_ =	shalt  }

// kernel: kernel.9.cloned.1.call-start
scs
__scs_entry_jumppad:
0x0: {  	(pc) =	sbr.rel $0x88, $3  }
0x1: {  	(tag) =	ssettag $0x0;
	lr =	simm.s32 $0x1  }
0x2: {  	[smem:$0x3F99] =	sst lr;
	_ =	strace $0xD0000000  }
0x3: {  	_ = 	snop  }
0x4: {  	_ = 	snop  }
0x5: {  	_ = 	snop  }
0x6: {  	_ = 	snop  }
0x7: {  	_ = 	snop  }
__scs_overlays_trampoline_lowered:
0x8: {  	[smem:$0x3FA8] =	sst s0  }
0x9: {  	[smem:$0x3FA9] =	sst s1  }
0xa: {  	[smem:$0x3FAA] =	sst s2  }
0xb: {  	[smem:$0x3FAB] =	sst s3  }
0xc: {  	[smem:$0x3FAC] =	sst s4  }
0xd: {  	[smem:$0x3FAD] =	sst s5  }
0xe: {  	[smem:$0x3FAE] =	sst s6  }
0xf: {  	[smem:$0x3FAF] =	sst s7  }
0x10: {  	[smem:$0x3FB0] =	sst s8  }
0x11: {  	[smem:$0x3FB1] =	sst s9;
	s0 =	simm.s32 @!p0 $0x0  }
0x12: {  	s1 =	sld [smem:$0x3F97];
	s0 =	simm.s32 @p0 $0x1  }
0x13: {  	[smem:$0x3FB2] =	sst s0;
	s0 =	simm.s32 @!p1 $0x0  }
0x14: {  	s2 =	sld [smem:$0x3F96];
	s0 =	simm.s32 @p1 $0x1  }
0x15: {  	[smem:$0x3FB3] =	sst s0;
	s0 =	simm.s32 @!p2 $0x0  }
0x16: {  	s3 =	sld [smem:$0x3FDB];
	s0 =	simm.s32 @p2 $0x1  }
0x17: {  	s4 =	simm.s32 $0x1BF5;
	[smem:$0x3FB5] =	sst s0  }
0x18: {  	s0 =	sld [smem:$0x3F98];
	_ =	swait.ge [sflag:s4], $0x0  }
0x19: {  	s7 =	sld [smem:$0x3F99]  }
0x1a: {  	s8 =	sadd.s32 $0xFFFFE003, lr  }
0x1b: {  	s9 =	sadd.s32 $0xFFFFFEF7, lr;
	s5 =	simm.s32 $0xFFFFFFFF;
	p2 =	slt.u32 s8, $0xFFFFF086  }
0x1c: {  	p1 =	slt.u32 s9, $0xF7A;
	s5 =	simm.s32 @!p2 $0x0  }
0x1d: {  	s5 =	simm.s32 @p1 $0x1;
	p0 =	seq.s32 s7, s2  }
0x1e: {  	s7 =	smul.u32 @!p0 $0xF7A, s2;
	p2 =	seq.s32 @!p0 s5, $0x0  }
0x1f: {  	s9 =	smul.u32 $0xF7A, s1;
	s8 =	simm.s32 @!p0 $0x1BF5;
	p2 =	por !p2, p0  }
0x20: {  	[sflag:s8] =	ssyncset.s32 @!p0 $0xFFFFF086;
	s6 =	sadd.s32 @!p0 s3, s7;
	s7 =	simm.s32 @!p0 $0x108  }
0x21: {  	s3 =	sadd.s32 s3, s9;
	s6 =	sadd.s32 @!p0 $0x88, s6;
	s7 =	simm.s32 @p2 $0x1082  }
0x22: {  	[simem:s7], [sflag:s8] =	dma.local @!p0 [hbm:s6], $0xF7A  }
0x23: {  	s9 =	sor.u32 $0xD0000000, s2;
	s6 =	simm.s32 $0x108;
	_ =	swait.ge @!p0 [sflag:s8], $0x0  }
0x24: {  	s3 =	sadd.s32 $0x88, s3;
	s6 =	simm.s32 @!p1 $0x1082;
	[sflag:s4] =	ssyncset.s32 $0xFFFFF086  }
0x25: {  	[simem:s6], [sflag:s4] =	dma.local [hbm:s3], $0xF7A  }
0x26: {  	[smem:$0x3F99] =	sst s1;
	(tag) =	ssettag s2;
	_ =	strace s9  }
0x27: {  	s1 =	sld [smem:$0x3FA9]  }
0x28: {  	s2 =	sld [smem:$0x3FAA]  }
0x29: {  	s4 =	sld [smem:$0x3FAC]  }
0x2a: {  	p0 =	seq.s32 s5, $0x0;
	s5 =	sld [smem:$0x3FAD]  }
0x2b: {  	s6 =	sld [smem:$0x3FAE]  }
0x2c: {  	s7 =	sld [smem:$0x3FAF]  }
0x2d: {  	s3 =	simm.s32 $0x108;
	s8 =	sld [smem:$0x3FB0]  }
0x2e: {  	s3 =	simm.s32 @!p0 $0x1082;
	s9 =	sld [smem:$0x3FB1]  }
0x2f: {  	lr =	sadd.s32 s0, s3;
	s0 =	sld [smem:$0x3FA8]  }
0x30: {  	s3 =	sld [smem:$0x3FAB]  }
0x31: {  	[smem:$0x3FB4] =	sst s10  }
0x32: {  	s10 =	sld [smem:$0x3FB2];
	_ =	sdelay $0x3  }
0x33: {  	p0 =	seq.s32 s10, $0x1;
	s10 =	sld [smem:$0x3FB4];
	_ =	sdelay $0x3  }
0x34: {  	[smem:$0x3FB4] =	sst s10  }
0x35: {  	s10 =	sld [smem:$0x3FB3];
	_ =	sdelay $0x3  }
0x36: {  	p1 =	seq.s32 s10, $0x1;
	s10 =	sld [smem:$0x3FB4];
	_ =	sdelay $0x3  }
0x37: {  	[smem:$0x3FB4] =	sst s10  }
0x38: {  	s10 =	sld [smem:$0x3FB5]  }
0x39: {  	_ = 	snop;
	(pc) =	sbr.ind lr, $3  }
0x3a: {  	_ = 	snop  }
0x3b: {  	_ = 	snop  }
0x3c: {  	p2 =	seq.s32 s10, $0x1;
	s10 =	sld [smem:$0x3FB4]  }
0x3d: {  	_ =	shalt  }
0x3e: {  	_ =	shalt  }
0x3f: {  	_ =	shalt  }
0x40: {  	_ =	shalt  }
0x41: {  	_ =	shalt  }
0x42: {  	_ =	shalt  }
0x43: {  	_ =	shalt  }
0x44: {  	_ =	shalt  }
0x45: {  	_ =	shalt  }
0x46: {  	_ =	shalt  }
0x47: {  	_ =	shalt  }
0x48: {  	_ =	shalt  }
0x49: {  	_ =	shalt  }
0x4a: {  	_ =	shalt  }
0x4b: {  	_ =	shalt  }
0x4c: {  	_ =	shalt  }
0x4d: {  	_ =	shalt  }
0x4e: {  	_ =	shalt  }
0x4f: {  	_ =	shalt  }
0x50: {  	_ =	shalt  }
0x51: {  	_ =	shalt  }
0x52: {  	_ =	shalt  }
0x53: {  	_ =	shalt  }
0x54: {  	_ =	shalt  }
0x55: {  	_ =	shalt  }
0x56: {  	_ =	shalt  }
0x57: {  	_ =	shalt  }
0x58: {  	_ =	shalt  }
0x59: {  	_ =	shalt  }
0x5a: {  	_ =	shalt  }
0x5b: {  	_ =	shalt  }
0x5c: {  	_ =	shalt  }
0x5d: {  	_ =	shalt  }
0x5e: {  	_ =	shalt  }
0x5f: {  	_ =	shalt  }
0x60: {  	_ =	shalt  }
0x61: {  	_ =	shalt  }
0x62: {  	_ =	shalt  }
0x63: {  	_ =	shalt  }
0x64: {  	_ =	shalt  }
0x65: {  	_ =	shalt  }
0x66: {  	_ =	shalt  }
0x67: {  	_ =	shalt  }
0x68: {  	_ =	shalt  }
0x69: {  	_ =	shalt  }
0x6a: {  	_ =	shalt  }
0x6b: {  	_ =	shalt  }
0x6c: {  	_ =	shalt  }
0x6d: {  	_ =	shalt  }
0x6e: {  	_ =	shalt  }
0x6f: {  	_ =	shalt  }
0x70: {  	_ =	shalt  }
0x71: {  	_ =	shalt  }
0x72: {  	_ =	shalt  }
0x73: {  	_ =	shalt  }
0x74: {  	_ =	shalt  }
0x75: {  	_ =	shalt  }
0x76: {  	_ =	shalt  }
0x77: {  	_ =	shalt  }
0x78: {  	_ =	shalt  }
0x79: {  	_ =	shalt  }
0x7a: {  	_ =	shalt  }
0x7b: {  	_ =	shalt  }
0x7c: {  	_ =	shalt  }
0x7d: {  	_ =	shalt  }
0x7e: {  	_ =	shalt  }
0x7f: {  	_ =	shalt  }
0x80: {  	_ =	shalt  }
0x81: {  	_ =	shalt  }
0x82: {  	_ =	shalt  }
0x83: {  	_ =	shalt  }
0x84: {  	_ =	shalt  }
0x85: {  	_ =	shalt  }
0x86: {  	_ =	shalt  }
0x87: {  	_ =	shalt  }
.Lfunc_end0:
.L_simem_size_0:
called_computation_lowered:
.L_overlay_start_0:
0x88: {  	s2 =	sld [smem:$0x3FD9]  }
0x89: {  	s3 =	sld [smem:$0x3FFE];
	_ =	sdelay $0x1  }
0x8a: {  	s1 =	srdreg.scid  }
0x8b: {  	s0 =	sand.u32 $0x1, s1  }
0x8c: {  	s17 =	sshll.u32 s0, $0xA;
	s2 =	sadd.s32 s3, s2  }
0x8d: {  	s2 =	sadd.s32 s2, s17  }
0x8e: {  	[smem:$0x3FC0] =	sst s2  }
0x8f: {  	_ = 	snop  }
0x90: {  	s2 =	sld [smem:$0x3FD0];
	(tm) =	ssettm $0x1  }
0x91: {  	s18 =	sld [smem:$0x3FFB];
	_ =	sdelay $0x3  }
0x92: {  	_ =	strace s18  }
0x93: {  	s3 =	sld [smem:$0x3FFC];
	_ =	sdelay $0x3  }
0x94: {  	_ =	strace s3  }
0x95: {  	s3 =	sld [smem:$0x3FFD];
	_ =	sdelay $0x3  }
0x96: {  	_ =	strace s3  }
0x97: {  	_ =	strace $0x8FFFFFFF  }
0x98: {  	s19 =	sld [smem:$0x3FDB];
	_ =	sdelay $0x1  }
0x99: {  	s4 =	simm.s32 $_scs_section_size  }
0x9a: {  	s5 =	simm.s32 $_size__tile_overlayer_lowered;
	s6 =	simm.s32 $_tile_overlayer_lowered  }
0x9b: {  	s22 =	simm.s32 $0x1BFF;
	s21 =	sshll.u32 s6, $0x1;
	s3 =	sadd.s32 s4, s19  }
0x9c: {  	s7 =	simm.s32 $0x0;
	s20 =	sshll.u32 s5, $0x1;
	s5 =	sadd.s32 s21, s3  }
0x9d: {  	[timem:s7], [sflag:s22] =	dma.local [hbm:s5], s20  }
0x9e: {  	_ =	swait.ge [sflag:s22], s20  }
0x9f: {  	s4 =	ssub.s32 $0x0, s20;
	[sflag:s22] =	ssyncset.done $0x0  }
0xa0: {  	[sflag:s22] =	ssyncadd.s32 s4;
	_ =	sdelay $0x1  }
0xa1: {  	s23 =	simm.s32 $0x1B8B  }
0xa2: {  	_ =	swait.ge [sflag:s23], $0x1  }
0xa3: {  	[sflag:s23] =	ssyncset.done $0x0  }
0xa4: {  	s25 =	simm.s32 $0x1B8E;
	s24 =	sld [smem:$0x3FFE];
	[sflag:s23] =	ssyncadd.s32 $0xFFFFFFFF  }
0xa5: {  	s26 =	simm.s32 $execute0_lowered;
	[smem:$0x3FD2] =	sst s25  }
0xa6: {  	s5 =	sshll.u32 s26, $0x1;
	_ =	strace $0x80000046;
	[dreg:$0x1] =	wrdreg $0xFFFFFFFF  }
0xa7: {  	s28 =	simm.s32 $_size_execute0_lowered;
	s3 =	sadd.s32 s3, s5;
	[dreg:$0x0] =	wrdreg $0x0  }
0xa8: {  	s5 =	sshll.u32 s28, $0x1;
	[dreg:$0x2] =	wrdreg s3  }
0xa9: {  	[dreg:$0x3] =	wrdreg s5  }
0xaa: {  	[dreg:$0x4] =	wrdreg $0xC0  }
0xab: {  	_ =	task [dreg:s7], $0x5FFFF  }
0xac: {  	[dreg:$0x1] =	wrdreg $0xFFFFFFFF  }
0xad: {  	[dreg:$0x0] =	wrdreg $0x60  }
0xae: {  	[dreg:$0x2] =	wrdreg s2  }
0xaf: {  	[dreg:$0x3] =	wrdreg s24  }
0xb0: {  	[dreg:$0x4] =	wrdreg $0xDE000  }
0xb1: {  	[dreg:$0x5] =	wrdreg $0x9  }
0xb2: {  	_ =	task.clear_ibuf [dreg:s7], $0x6FFFF;
	_ =	strace $0x90000046  }
0xb3: {  	s29 =	simm.s32 $0x9;
	_ =	strace $0x80000048  }
0xb4: {  	_ =	swait.ge [sflag:s29], $0x1  }
0xb5: {  	[sflag:s29] =	ssyncadd.s32 $0xFFFFFFFF  }
0xb6: {  	_ =	strace $0x90000048  }
0xb7: {  	_ =	sfence  }
0xb8: {  	s30 =	sld [smem:$0x0];
	_ =	sdelay $0x2  }
0xb9: {  	s31 =	sshll.u32 s1, $0xD;
	s1 =	sshrl.u32 s1, $0x2  }
0xba: {  	s3 =	sand.u32 $0x4000, s31;
	s1 =	sadd.s32 s1, s30  }
0xbb: {  	s0 =	sor.u32 s3, s0;
	s1 =	sshll.u32 s1, $0x11  }
0xbc: {  	s0 =	sor.u32 s1, s0  }
0xbd: {  	s0 =	sadd.s32 $0x8F2B, s0  }
0xbe: {  	[sflag:s0] =	ssyncadd.remote.s32 $0x1  }
0xbf: {  	_ =	sfence.sel $0xFFFF  }
0xc0: {  	[dreg:$0x0] =	wrdreg $0xFFFFFFFF;
	(pc) =	sbr.abs _section_cstart, $3  }
0xc1: {  	[dreg:$0x1] =	wrdreg $0xFFFFFFFF  }
0xc2: {  	_ =	task.clear_ibuf [dreg:s7], $0x2FFFF;
	_ =	strace $0x9FFFFFFF  }
0xc3: {  	(tm) =	ssettm $0x7FFFFFFF  }
tec
execute0_lowered:
.L_overlay_start_1:
0x0: {  	(tag) =	ssettag $0x1  }
0x1: {  	s7 =	rddreg [dreg:$0x0]  }
0x2: {  	s5 =	rddreg [dreg:$0x1]  }
0x3: {  	s2 =	rddreg [dreg:$0x2]  }
0x4: {  	s1 =	stileid.u32;
	s0 =	rddreg [dreg:$0x3];
	s3 =	simm.s32 $0x0  }
0x5: {  	s6 =	srdreg.scid;
	s16 =	simm.s32 $0x80;
	s17 =	simm.s32 $0x9E00  }
0x6: {  	s18 =	simm.s32 $0xBE00;
	s19 =	simm.s32 $0x1;
	s20 =	simm.s32 $0x2  }
0x7: {  	s21 =	simm.s32 $0x4E80;
	s22 =	simm.s32 $0x9D00;
	s4 =	smul.u32 $0x9E0, s1  }
0x8: {  	s23 =	simm.s32 $0x9D80;
	[smem:$0x7FF] =	sst s3;
	s10 =	smul.u32 $0x27800, s1  }
0x9: {  	s6 =	sand.u32 $0x1, s6;
	s11 =	sadd.s32 $0x16200, s5;
	s28 =	smul.u32 $0x9E00, s1  }
0xa: {  	s14 =	sadd.s32 $0x94200, s2;
	p0 =	seq.s32 s1, $0xF;
	_ =	strace $0x80000047  }
0xb: {  	s9 =	ssub.s32 $0x2, s6;
	s12 =	smul.u32 $0x9C400, s6;
	s8 =	sadd.s32 s4, s5  }
0xc: {  	s4 =	sadd.s32 $0x14E00, s5;
	s25 =	sshrl.u32 s9, $0x1;
	s26 =	sshrl.u32 s10, $0x2  }
0xd: {  	s24 =	sadd.s32 s28, s2;
	s13 =	ssub.s32 s9, s25;
	s5 =	sadd.s32 $0xB000, s8  }
0xe: {  	s6 =	sadd.s32 $0x1200, s8;
	s15 =	sadd.s32 s26, s2;
	s29 =	sshrl.u32 s12, $0x3  }
0xf: {  	s30 =	sadd.s32 s28, s12;
	s12 =	simm.s32 $0x4F00;
	s24 =	sshrl.u32 @!p0 s24, $0x3  }
0x10: {  	s25 =	simm.s32 $0x0;
	s7 =	sadd.s32 s7, s29;
	s9 =	sshrl.u32 s30, $0x3  }
0x11: {  	s31 =	sadd.s32 s11, s29;
	s10 =	smax.u32 s13, $0x1;
	s13 =	sshrl.u32 @p0 s14, $0x3  }
0x12: {  	s14 =	sshll.u32 @!p0 s1, $0x6;
	s15 =	sshrl.u32 @!p0 s15, $0x3;
	s8 =	sadd.s32 s11, s9  }
0x13: {  	s9 =	sadd.s32 $0x12840, s31;
	s11 =	simm.s32 $0x3;
	s14 =	sor.u32 @!p0 $0x1C03, s14  }
.LBB2_1:
0x14: {  	[tilespmem:s3], [sflag:$0x3] =	stream.linear.gather [hbm4b:s5+s3], $0x4F00, $0x38;
	[tilespmem:$0x17A60] =	vst v63  }
0x15: {  	_ =	swait.ge [sflag:s11], $0x4F00  }
0x16: {  	[sflag:s11] =	ssyncset.done $0x0  }
0x17: {  	[sflag:s11] =	ssyncadd.s32 $0xFFFFB100  }
0x18: {  	[tilespmem:s12], [sflag:$0x3] =	stream.linear.gather [hbm4b:s6+s3], $0x4F00, $0x38;
	[tilespmem:$0x17A60] =	vst v63  }
0x19: {  	_ =	swait.ge [sflag:s11], $0x4F00  }
0x1a: {  	[sflag:s11] =	ssyncset.done $0x0  }
0x1b: {  	s26 =	simm.s32 @p0 $0x1FC3;
	[sflag:s11] =	ssyncadd.s32 $0xFFFFB100  }
0x1c: {  	[spmem:s13], [sflag:s26] =	dma.local @p0 [hbm:s4], $0x1080  }
0x1d: {  	s26 =	simm.s32 @p0 $0x3  }
0x1e: {  	_ =	swait.ge @p0 [sflag:s26], $0x1080  }
0x1f: {  	[sflag:s26] =	ssyncset.done @p0 $0x0  }
0x20: {  	[sflag:s26] =	ssyncadd.s32 @p0 $0xFFFFEF80;
	s26 =	simm.s32 @!p0 $0x3  }
0x21: {  	[spmem:s15], [sflag:s14] =	dma.local @!p0 [hbm:s4], $0x13C0  }
0x22: {  	_ =	swait.ge @!p0 [sflag:s26], $0x13C0  }
0x23: {  	[sflag:s26] =	ssyncset.done @!p0 $0x0  }
0x24: {  	[sflag:s26] =	ssyncadd.s32 @!p0 $0xFFFFEC40  }
0x25: {  	[bflag:$0x0] =	sbarrier.arrive $0xFFFF  }
0x26: {  	[tilespmem:s17], [sflag:$0x1] =	stream.indirect.gather [hbm4b:s7+s16], $0x40, s3, s16, $0xb8;
	[tilespmem:$0x17A60] =	vst v63  }
0x27: {  	s31 =	simm.s32 $0x80  }
0x28: {  	[tilespmem:s18], [sflag:$0x2] =	stream.indirect.gather [hbm4b:s7+s16], $0x40, s31, s16, $0xb8;
	[tilespmem:$0x17A60] =	vst v63  }
0x29: {  	_ =	swait.ge [sflag:s19], $0x2000  }
0x2a: {  	[sflag:s19] =	ssyncset.done $0x0  }
0x2b: {  	s29 =	simm.s32 $0x4F00;
	[sflag:s19] =	ssyncadd.s32 $0xFFFFE000  }
0x2c: {  	[spmem:s2] =	stream.indirect.scatter.add.f32 [tilespmem:s17], [sflag:$0x3], $0x40, s29, s16, $0xb8;
	[tilespmem:$0x17A60] =	vst v63  }
0x2d: {  	_ =	swait.ge [sflag:s11], $0x2000  }
0x2e: {  	[sflag:s11] =	ssyncset.done $0x0  }
0x2f: {  	s30 =	simm.s32 $0x100;
	[sflag:s11] =	ssyncadd.s32 $0xFFFFE000  }
0x30: {  	[tilespmem:s17], [sflag:$0x1] =	stream.indirect.gather [hbm4b:s7+s16], $0x40, s30, s16, $0xb8;
	[tilespmem:$0x17A60] =	vst v63  }
0x31: {  	_ =	swait.ge [sflag:s20], $0x2000  }
0x32: {  	[sflag:s20] =	ssyncset.done $0x0  }
0x33: {  	s31 =	simm.s32 $0x4F80;
	[sflag:s20] =	ssyncadd.s32 $0xFFFFE000  }
0x34: {  	[spmem:s2] =	stream.indirect.scatter.add.f32 [tilespmem:s18], [sflag:$0x3], $0x40, s31, s16, $0xb8;
	[tilespmem:$0x17A60] =	vst v63  }
0x35: {  	_ =	swait.ge [sflag:s11], $0x2000  }
0x36: {  	s28 =	simm.s32 $0x800;
	s26 =	simm.s32 $0x100;
	[sflag:s11] =	ssyncset.done $0x0  }
.LBB2_2:
0x37: {  	s29 =	sadd.s32 $0x80, s26  }
0x38: {  	[sflag:s11] =	ssyncadd.s32 $0xFFFFE000;
	s30 =	smov.u32 s28;
	s31 =	sadd.s32 $0x400, s28  }
0x39: {  	[tilespmem:s18], [sflag:$0x2] =	stream.indirect.gather [hbm4b:s7+s16], $0x40, s29, s16, $0xb8;
	[tilespmem:$0x17A60] =	vst v63  }
0x3a: {  	p1 =	sne.s32 s28, $0x13400;
	_ =	swait.ge [sflag:s19], $0x2000  }
0x3b: {  	[sflag:s19] =	ssyncset.done $0x0  }
0x3c: {  	s28 =	sadd.s32 $0x4F00, s26;
	[sflag:s19] =	ssyncadd.s32 $0xFFFFE000  }
0x3d: {  	[spmem:s2] =	stream.indirect.scatter.add.f32 [tilespmem:s17], [sflag:$0x3], $0x40, s28, s16, $0xb8;
	[tilespmem:$0x17A60] =	vst v63  }
0x3e: {  	_ =	swait.ge [sflag:s11], $0x2000  }
0x3f: {  	[sflag:s11] =	ssyncset.done $0x0  }
0x40: {  	s28 =	sadd.s32 $0x100, s26;
	[sflag:s11] =	ssyncadd.s32 $0xFFFFE000  }
0x41: {  	[tilespmem:s17], [sflag:$0x1] =	stream.indirect.gather [hbm4b:s7+s16], $0x40, s28, s16, $0xb8;
	[tilespmem:$0x17A60] =	vst v63  }
0x42: {  	_ =	swait.ge [sflag:s20], $0x2000  }
.Ltmp0:
0x43: {  	[sflag:s20] =	ssyncset.done $0x0;
	(pc) =	sbr.rel @p1 .LBB2_2-.Ltmp0, $4  }
0x44: {  	s26 =	sadd.s32 $0x4F80, s26;
	[sflag:s20] =	ssyncadd.s32 $0xFFFFE000  }
0x45: {  	[spmem:s2] =	stream.indirect.scatter.add.f32 [tilespmem:s18], [sflag:$0x3], $0x40, s26, s16, $0xb8;
	[tilespmem:$0x17A60] =	vst v63  }
0x46: {  	_ =	swait.ge [sflag:s11], $0x2000  }
0x47: {  	s28 =	smov.u32 s31;
	s26 =	sshra.s32 s30, $0x2;
	[sflag:s11] =	ssyncset.done $0x0  }
0x48: {  	s28 =	sadd.s32 $0x80, s26;
	[sflag:s11] =	ssyncadd.s32 $0xFFFFE000  }
0x49: {  	[tilespmem:s18], [sflag:$0x2] =	stream.indirect.gather [hbm4b:s7+s16], $0x40, s28, s16, $0xb8;
	[tilespmem:$0x17A60] =	vst v63  }
0x4a: {  	_ =	swait.ge [sflag:s19], $0x2000  }
0x4b: {  	[sflag:s19] =	ssyncset.done $0x0  }
0x4c: {  	s29 =	sadd.s32 $0x4F00, s26;
	[sflag:s19] =	ssyncadd.s32 $0xFFFFE000  }
0x4d: {  	[spmem:s2] =	stream.indirect.scatter.add.f32 [tilespmem:s17], [sflag:$0x3], $0x40, s29, s16, $0xb8;
	[tilespmem:$0x17A60] =	vst v63  }
0x4e: {  	_ =	swait.ge [sflag:s11], $0x2000  }
0x4f: {  	[sflag:s11] =	ssyncset.done $0x0  }
0x50: {  	s30 =	sadd.s32 $0x100, s26;
	[sflag:s11] =	ssyncadd.s32 $0xFFFFE000  }
0x51: {  	[tilespmem:s17], [sflag:$0x1] =	stream.indirect.gather [hbm4b:s7+s16], $0x40, s30, s16, $0xb8;
	[tilespmem:$0x17A60] =	vst v63  }
0x52: {  	_ =	swait.ge [sflag:s20], $0x2000  }
0x53: {  	[sflag:s20] =	ssyncset.done $0x0  }
0x54: {  	s31 =	sadd.s32 $0x4F80, s26;
	[sflag:s20] =	ssyncadd.s32 $0xFFFFE000  }
0x55: {  	[spmem:s2] =	stream.indirect.scatter.add.f32 [tilespmem:s18], [sflag:$0x3], $0x40, s31, s16, $0xb8;
	[tilespmem:$0x17A60] =	vst v63  }
0x56: {  	_ =	swait.ge [sflag:s11], $0x2000  }
0x57: {  	[sflag:s11] =	ssyncset.done $0x0  }
0x58: {  	[sflag:s11] =	ssyncadd.s32 $0xFFFFE000  }
0x59: {  	[tilespmem:s18], [sflag:$0x2] =	stream.indirect.gather [hbm4b:s7+s16], $0x40, s21, s16, $0xb8;
	[tilespmem:$0x17A60] =	vst v63  }
0x5a: {  	_ =	swait.ge [sflag:s19], $0x2000  }
0x5b: {  	[sflag:s19] =	ssyncset.done $0x0  }
0x5c: {  	[sflag:s19] =	ssyncadd.s32 $0xFFFFE000  }
0x5d: {  	[spmem:s2] =	stream.indirect.scatter.add.f32 [tilespmem:s17], [sflag:$0x3], $0x40, s22, s16, $0xb8;
	[tilespmem:$0x17A60] =	vst v63  }
0x5e: {  	_ =	swait.ge [sflag:s11], $0x2000  }
0x5f: {  	[sflag:s11] =	ssyncset.done $0x0  }
0x60: {  	[sflag:s11] =	ssyncadd.s32 $0xFFFFE000  }
0x61: {  	_ =	swait.ge [sflag:s20], $0x2000  }
0x62: {  	[sflag:s20] =	ssyncset.done $0x0  }
0x63: {  	[sflag:s20] =	ssyncadd.s32 $0xFFFFE000  }
0x64: {  	[spmem:s2] =	stream.indirect.scatter.add.f32 [tilespmem:s18], [sflag:$0x3], $0x40, s23, s16, $0xb8;
	[tilespmem:$0x17A60] =	vst v63  }
0x65: {  	_ =	swait.ge [sflag:s11], $0x2000  }
0x66: {  	[sflag:s11] =	ssyncset.done $0x0  }
0x67: {  	[sflag:s11] =	ssyncadd.s32 $0xFFFFE000  }
0x68: {  	s26 =	simm.s32 @p0 $0x1FC3;
	[bflag:$0x0] =	sbarrier.arrive $0xFFFF  }
0x69: {  	[hbm:s9], [sflag:s26] =	dma.local @p0 [spmem:s13], $0x1040  }
0x6a: {  	s26 =	simm.s32 @p0 $0x3  }
0x6b: {  	s25 =	sadd.s32 $0x1, s25;
	_ =	swait.ge @p0 [sflag:s26], $0x1040  }
0x6c: {  	p1 =	sne.s32 s25, s10;
	[sflag:s26] =	ssyncset.done @p0 $0x0  }
.Ltmp1:
0x6d: {  	[sflag:s26] =	ssyncadd.s32 @p0 $0xFFFFEFC0;
	s26 =	simm.s32 @!p0 $0x3;
	(pc) =	sbr.rel @p1 .LBB2_1-.Ltmp1, $4  }
0x6e: {  	[hbm:s8], [sflag:s14] =	dma.local @!p0 [spmem:s24], $0x13C0  }
0x6f: {  	_ =	swait.ge @!p0 [sflag:s26], $0x13C0  }
0x70: {  	[sflag:s26] =	ssyncset.done @!p0 $0x0  }
0x71: {  	[sflag:s26] =	ssyncadd.s32 @!p0 $0xFFFFEC40  }
0x72: {  	_ =	sfence.sel $0x180000  }
0x73: {  	[bflag:$0x0] =	sbarrier.arrive $0xFFFF  }
0x74: {  	p0 =	sne.s32 s1, $0x0;
	_ =	strace $0x90000047  }
0x75: {  	s0 =	sadd.s32 @!p0 $0x100000, s0;
	[bflag:$0x2] =	sbarrier.arrive $0xFFFF  }
0x76: {  	[sflag:s0] =	ssyncadd.tile.s32 @!p0 $0x1;
	_ =	shalt  }
.Lfunc_end2:
_tile_overlayer_lowered:
.L_overlay_start_2:
0x77: {  	(tag) =	ssettag $0x2  }
0x78: {  	s0 =	rddreg [dreg:$0x0];
	s2 =	stileid.u32  }
0x79: {  	s1 =	rddreg [dreg:$0x1];
	p0 =	sne.s32 s2, $0x0  }
0x7a: {  	s3 =	rddreg [dreg:$0x2];
	[bflag:$0x3] =	sbarrier.arrive $0xFFFF;
	s2 =	simm.s32 @!p0 $0x1C03  }
0x7b: {  	[timem:s3], [sflag:s2] =	dma.local @!p0 [hbm:s0], s1  }
0x7c: {  	s0 =	simm.s32 @!p0 $0x3  }
0x7d: {  	_ =	swait.ge @!p0 [sflag:s0], s1  }
0x7e: {  	s1 =	ssub.s32 @!p0 $0x0, s1;
	[sflag:s0] =	ssyncset.done @!p0 $0x0  }
0x7f: {  	[sflag:s0] =	ssyncadd.s32 @!p0 s1  }
0x80: {  	[bflag:$0x3] =	sbarrier.arrive $0xFFFF  }
0x81: {  	_ =	shalt  }

</sc_bundles>
